<compile_context>
chip_gen: v7x
topology: tpu7x:2x2x1
jax: 0.10.2.dev20260603
libtpu: 0.0.44.dev20260713+nightly
codegen_flags: <defaults>
</compile_context>

<pallas_src>
import jax
import jax.numpy as jnp
from jax import lax
from jax.experimental import pallas as pl
from jax.experimental.pallas import tpu as pltpu
from jax.experimental.pallas import tpu_sc as plsc

D = 8
K = 512
DIM = 512
SUBDIM = DIM // D

_SC_INFO = plsc.get_sparse_core_info()
NC = _SC_INFO.num_cores
NS = _SC_INFO.num_subcores
NW = NC * NS


def _tc_body(x_ref, embt_ref, sn_ref, en_ref, gidx_ref, loss_ref):
    i = pl.program_id(0)
    tn = x_ref.shape[1]
    acc = jnp.float32(0.0)
    iota_kf = lax.broadcasted_iota(jnp.int32, (tn, K), 1).astype(jnp.float32)
    for d in range(D):
        xd = x_ref[0, :, d * SUBDIM:(d + 1) * SUBDIM]
        et = embt_ref[d]
        c = jnp.dot(xd, et, preferred_element_type=jnp.float32)
        sn = sn_ref[0, :, d:d + 1]
        en = en_ref[d:d + 1, :]
        dist = sn + en - 2.0 * c
        mn = jnp.min(dist, axis=1)
        a_f = jnp.min(jnp.where(dist == mn[:, None], iota_kf,
                                jnp.float32(K)), axis=1)
        a = a_f.astype(jnp.int32)
        gidx_ref[0, :, d:d + 1] = (a + d * K)[:, None]
        acc = acc + jnp.sum(mn)

    @pl.when(i == 0)
    def _():
        loss_ref[:, :] = jnp.zeros((1, 1), jnp.float32)

    loss_ref[:, :] += jnp.reshape(acc, (1, 1))


def _sc_gather(table_hbm, gidx_hbm, out_hbm, idx_v, rows_v0, rows_v1,
               sg0, sg1, sw0, sw1):
    wid = lax.axis_index("s") * NC + lax.axis_index("c")
    rows_per_w = gidx_hbm.shape[0] // NW
    chunk = rows_v0.shape[0]
    nb = rows_per_w // chunk
    base = wid * rows_per_w
    bufs = (rows_v0, rows_v1)
    sgs = (sg0, sg1)
    sws = (sw0, sw1)
    pltpu.sync_copy(gidx_hbm.at[pl.ds(base, rows_per_w)], idx_v)

    def start_gather(j):
        b = bufs[j & 1]
        return pltpu.async_copy(
            table_hbm.at[idx_v.at[pl.ds(j * chunk, chunk)]], b, sgs[j & 1])

    gh = {0: start_gather(0)}
    if nb > 1:
        gh[1] = start_gather(1)
    for j in range(nb):
        b = j & 1
        gh[j].wait()
        wh = pltpu.async_copy(bufs[b], out_hbm.at[pl.ds(base + j * chunk,
                                                        chunk)], sws[b])
        if j + 2 < nb:
            wh.wait()
            gh[j + 2] = start_gather(j + 2)
        else:
            wh.wait()


def _tc_stage(xh, embt, snh, en):
    Bh, T = xh.shape[0], xh.shape[1]
    return pl.pallas_call(
        _tc_body,
        grid=(Bh,),
        in_specs=[
            pl.BlockSpec((1, T, DIM), lambda i: (i, 0, 0)),
            pl.BlockSpec((D, SUBDIM, K), lambda i: (0, 0, 0)),
            pl.BlockSpec((1, T, D), lambda i: (i, 0, 0)),
            pl.BlockSpec((D, K), lambda i: (0, 0)),
        ],
        out_specs=[
            pl.BlockSpec((1, T, D), lambda i: (i, 0, 0)),
            pl.BlockSpec((1, 1), lambda i: (0, 0)),
        ],
        out_shape=[
            jax.ShapeDtypeStruct((Bh, T, D), jnp.int32),
            jax.ShapeDtypeStruct((1, 1), jnp.float32),
        ],
    )(xh, embt, snh, en)


def _sc_stage(table, gidx_flat, chunk):
    rows = gidx_flat.shape[0]
    rows_per_w = rows // NW
    gather = pl.kernel(
        _sc_gather,
        out_type=jax.ShapeDtypeStruct((rows, SUBDIM), jnp.float32),
        mesh=plsc.VectorSubcoreMesh(core_axis_name="c", subcore_axis_name="s"),
        compiler_params=pltpu.CompilerParams(use_tc_tiling_on_sc=False),
        scratch_types=[
            pltpu.VMEM((rows_per_w,), jnp.int32),
            pltpu.VMEM((chunk, SUBDIM), jnp.float32),
            pltpu.VMEM((chunk, SUBDIM), jnp.float32),
            pltpu.SemaphoreType.DMA,
            pltpu.SemaphoreType.DMA,
            pltpu.SemaphoreType.DMA,
            pltpu.SemaphoreType.DMA,
        ],
    )
    return gather(table, gidx_flat)


def kernel(x, embedding):
    B, T, _ = x.shape
    N = B * T
    embt = jnp.transpose(embedding, (0, 2, 1))
    sn = jnp.sum(x.reshape(-1, DIM).reshape(N, D, SUBDIM) ** 2,
                 axis=-1).reshape(B, T, D)
    en = jnp.sum(embedding ** 2, axis=-1)
    table = embedding.reshape(D * K, SUBDIM)

    gidx, loss = _tc_stage(x, embt, sn, en)
    quant = _sc_stage(table, gidx.reshape(N * D), 120)

    recon = quant.reshape(B, T, DIM)
    iota_d = jnp.arange(D, dtype=jnp.int32) * K
    indices = gidx - iota_d[None, None, :]
    vq_loss = (loss[0, 0] * (1.25 / (N * DIM))).astype(jnp.float32)
    return recon, indices, vq_loss

# --- scband reference (transcript-rebuilt; emitter-appended) ---
"""Pipeline reference for scband-fsqwhisper-tokenizer-14010183319976 (READ-ONLY COPY).

The authoritative reference and input builder live on the scoring server;
editing this copy changes nothing except your own understanding.
"""

import jax, jax.numpy as jnp
import numpy as np

D = 8
K = 512
DIM = 512
SUBDIM = DIM // D


def setup_inputs(seed: int = 0) -> dict:
    key = jax.random.key(seed)
    k1, k2 = jax.random.split(key)
    x = jax.random.normal(k1, (8, 1500, DIM), dtype=jnp.float32)
    embedding = jax.random.normal(k2, (D, K, SUBDIM), dtype=jnp.float32) * 0.01
    return {"x": x, "embedding": embedding}


def reference(x, embedding):
    B, T, _ = x.shape
    flat = x.reshape(-1, DIM)
    N = flat.shape[0]
    sub = flat.reshape(N, D, SUBDIM)
    sub_norm = jnp.sum(sub ** 2, axis=-1, keepdims=True)            # [N, D, 1]
    emb_norm = jnp.sum(embedding ** 2, axis=-1)[None, :, :]         # [1, D, K]
    cross = jnp.einsum('ndm,dkm->ndk', sub, embedding)              # [N, D, K]
    dist = sub_norm + emb_norm - 2.0 * cross
    idx = jnp.argmin(dist, axis=-1)                                 # [N, D]
    quant = embedding[jnp.arange(D)[None, :], idx]                  # [N, D, SUBDIM]
    z_q = quant.reshape(N, DIM)
    commitment_cost = 0.25
    vq_loss = jnp.mean((jax.lax.stop_gradient(z_q) - flat) ** 2) \
        + commitment_cost * jnp.mean((z_q - jax.lax.stop_gradient(flat)) ** 2)
    z_q_st = flat + jax.lax.stop_gradient(z_q - flat)
    recon = z_q_st.reshape(B, T, DIM)
    indices = idx.reshape(B, T, D)
    return recon, indices, vq_loss

if __name__ == "__main__":
    import jax
    _d = setup_inputs()
    print(jax.jit(kernel)(*tuple(_d.values())))

</pallas_src>

<mosaic_0001>
#map = affine_map<(d0, d1) -> (0, 0)>
#map1 = affine_map<(d0, d1) -> (0)>
module attributes {stable_mosaic.version = 14 : i64} {
  func.func @_sc_gather(%arg0: i32, %arg1: i32, %arg2: memref<4096x64xf32, #tpu.memory_space<hbm>>, %arg3: memref<96000xi32, #tpu.memory_space<hbm>>, %arg4: memref<96000x64xf32, #tpu.memory_space<hbm>>, %arg5: memref<3000xi32, #tpu.memory_space<vmem>>, %arg6: memref<120x64xf32, #tpu.memory_space<vmem>>, %arg7: memref<120x64xf32, #tpu.memory_space<vmem>>, %arg8: memref<!tpu.dma_semaphore, #tpu.memory_space<semaphore_mem>>, %arg9: memref<!tpu.dma_semaphore, #tpu.memory_space<semaphore_mem>>, %arg10: memref<!tpu.dma_semaphore, #tpu.memory_space<semaphore_mem>>, %arg11: memref<!tpu.dma_semaphore, #tpu.memory_space<semaphore_mem>>) attributes {dimension_semantics = [#tpu.dimension_semantics<core_parallel>, #tpu.dimension_semantics<subcore_parallel>], iteration_bounds = array<i64: 2, 16>, scalar_prefetch = 0 : i64, scratch_operands = 7 : i64, tpu.core_type = #tpu.core_type<sc_vector_subcore>, window_params = [{transform_indices = #map}, {transform_indices = #map1}, {transform_indices = #map}]} {
    %mul3A = arith.constant 2 : i32
    %mul3A_0 = arith.muli %arg1, %mul3A : i32
    %add3A = arith.addi %mul3A_0, %arg0 : i32
    %mul3A_1 = arith.constant 3000 : i32
    %mul3A_2 = arith.muli %add3A, %mul3A_1 : i32
    "tpu.region"() ({
      %run_scoped3A = tpu.sem_alloc : memref<!tpu.dma_semaphore, #tpu.memory_space<semaphore_mem>>
      %dma_start3A_501 = tpu.memref_slice %arg3[%mul3A_2] : memref<96000xi32, #tpu.memory_space<hbm>> -> memref<3000xi32, #tpu.memory_space<hbm>>
      %dma_start3A_502 = tpu.memref_slice %arg3[%mul3A_2] : memref<96000xi32, #tpu.memory_space<hbm>> -> memref<3000xi32, #tpu.memory_space<hbm>>
      tpu.enqueue_dma source(%dma_start3A_502 : memref<3000xi32, #tpu.memory_space<hbm>>) target(%arg5 : memref<3000xi32, #tpu.memory_space<vmem>>) target_semaphore(%run_scoped3A : memref<!tpu.dma_semaphore, #tpu.memory_space<semaphore_mem>>)
      %dma_wait3A_503 = tpu.memref_slice %arg3[%mul3A_2] : memref<96000xi32, #tpu.memory_space<hbm>> -> memref<3000xi32, #tpu.memory_space<hbm>>
      %dma_wait3A_504 = tpu.memref_slice %arg3[%mul3A_2] : memref<96000xi32, #tpu.memory_space<hbm>> -> memref<3000xi32, #tpu.memory_space<hbm>>
      tpu.wait_dma2 semaphore(%run_scoped3A : memref<!tpu.dma_semaphore, #tpu.memory_space<semaphore_mem>>) src(%dma_wait3A_504 : memref<3000xi32, #tpu.memory_space<hbm>>) dst(%arg5 : memref<3000xi32, #tpu.memory_space<vmem>>)
      tpu.yield
    }) : () -> ()
    %dma_start3A = arith.constant 0 : i32
    %dma_start3A_3 = tpu.memref_slice %arg5[%dma_start3A] : memref<3000xi32, #tpu.memory_space<vmem>> -> memref<120xi32, #tpu.memory_space<vmem>>
    %dma_start3A_4 = arith.constant 0 : i32
    %dma_start3A_5 = arith.constant 0 : i32
    %dma_start3A_6 = tpu.memref_slice %arg2[%dma_start3A_4, %dma_start3A_5] : memref<4096x64xf32, #tpu.memory_space<hbm>> -> memref<4096x64xf32, #tpu.memory_space<hbm>>
    tpu.enqueue_indirect_dma source(%dma_start3A_6 : memref<4096x64xf32, #tpu.memory_space<hbm>>) target(%arg6 : memref<120x64xf32, #tpu.memory_space<vmem>>) offsets(%dma_start3A_3 : memref<120xi32, #tpu.memory_space<vmem>>) semaphore(%arg8 : memref<!tpu.dma_semaphore, #tpu.memory_space<semaphore_mem>>)
    %dma_start3A_7 = arith.constant 120 : i32
    %dma_start3A_8 = tpu.memref_slice %arg5[%dma_start3A_7] : memref<3000xi32, #tpu.memory_space<vmem>> -> memref<120xi32, #tpu.memory_space<vmem>>
    %dma_start3A_9 = arith.constant 0 : i32
    %dma_start3A_10 = arith.constant 0 : i32
    %dma_start3A_11 = tpu.memref_slice %arg2[%dma_start3A_9, %dma_start3A_10] : memref<4096x64xf32, #tpu.memory_space<hbm>> -> memref<4096x64xf32, #tpu.memory_space<hbm>>
    tpu.enqueue_indirect_dma source(%dma_start3A_11 : memref<4096x64xf32, #tpu.memory_space<hbm>>) target(%arg7 : memref<120x64xf32, #tpu.memory_space<vmem>>) offsets(%dma_start3A_8 : memref<120xi32, #tpu.memory_space<vmem>>) semaphore(%arg9 : memref<!tpu.dma_semaphore, #tpu.memory_space<semaphore_mem>>)
    %dma_wait3A = arith.constant 0 : i32
    %dma_wait3A_12 = tpu.memref_slice %arg5[%dma_wait3A] : memref<3000xi32, #tpu.memory_space<vmem>> -> memref<120xi32, #tpu.memory_space<vmem>>
    %dma_wait3A_13 = arith.constant 0 : i32
    %dma_wait3A_14 = arith.constant 0 : i32
    %dma_wait3A_15 = tpu.memref_slice %arg2[%dma_wait3A_13, %dma_wait3A_14] : memref<4096x64xf32, #tpu.memory_space<hbm>> -> memref<4096x64xf32, #tpu.memory_space<hbm>>
    tpu.wait_indirect_dma semaphore(%arg8 : memref<!tpu.dma_semaphore, #tpu.memory_space<semaphore_mem>>) src(%dma_wait3A_15 : memref<4096x64xf32, #tpu.memory_space<hbm>>) dst(%arg6 : memref<120x64xf32, #tpu.memory_space<vmem>>)
    %add3A_16 = arith.constant 0 : i32
    %add3A_17 = arith.addi %mul3A_2, %add3A_16 : i32
    %dma_start3A_18 = arith.constant 0 : i32
    %dma_start3A_19 = tpu.memref_slice %arg4[%add3A_17, %dma_start3A_18] : memref<96000x64xf32, #tpu.memory_space<hbm>> -> memref<120x64xf32, #tpu.memory_space<hbm>>
    %dma_start3A_20 = arith.constant 0 : i32
    %dma_start3A_21 = tpu.memref_slice %arg4[%add3A_17, %dma_start3A_20] : memref<96000x64xf32, #tpu.memory_space<hbm>> -> memref<120x64xf32, #tpu.memory_space<hbm>>
    tpu.enqueue_dma source(%arg6 : memref<120x64xf32, #tpu.memory_space<vmem>>) target(%dma_start3A_21 : memref<120x64xf32, #tpu.memory_space<hbm>>) target_semaphore(%arg10 : memref<!tpu.dma_semaphore, #tpu.memory_space<semaphore_mem>>)
    %dma_wait3A_22 = arith.constant 0 : i32
    %dma_wait3A_23 = tpu.memref_slice %arg4[%add3A_17, %dma_wait3A_22] : memref<96000x64xf32, #tpu.memory_space<hbm>> -> memref<120x64xf32, #tpu.memory_space<hbm>>
    %dma_wait3A_24 = arith.constant 0 : i32
    %dma_wait3A_25 = tpu.memref_slice %arg4[%add3A_17, %dma_wait3A_24] : memref<96000x64xf32, #tpu.memory_space<hbm>> -> memref<120x64xf32, #tpu.memory_space<hbm>>
    tpu.wait_dma2 semaphore(%arg10 : memref<!tpu.dma_semaphore, #tpu.memory_space<semaphore_mem>>) src(%arg6 : memref<120x64xf32, #tpu.memory_space<vmem>>) dst(%dma_wait3A_25 : memref<120x64xf32, #tpu.memory_space<hbm>>)
    %dma_start3A_26 = arith.constant 240 : i32
    %dma_start3A_27 = tpu.memref_slice %arg5[%dma_start3A_26] : memref<3000xi32, #tpu.memory_space<vmem>> -> memref<120xi32, #tpu.memory_space<vmem>>
    %dma_start3A_28 = arith.constant 0 : i32
    %dma_start3A_29 = arith.constant 0 : i32
    %dma_start3A_30 = tpu.memref_slice %arg2[%dma_start3A_28, %dma_start3A_29] : memref<4096x64xf32, #tpu.memory_space<hbm>> -> memref<4096x64xf32, #tpu.memory_space<hbm>>
    tpu.enqueue_indirect_dma source(%dma_start3A_30 : memref<4096x64xf32, #tpu.memory_space<hbm>>) target(%arg6 : memref<120x64xf32, #tpu.memory_space<vmem>>) offsets(%dma_start3A_27 : memref<120xi32, #tpu.memory_space<vmem>>) semaphore(%arg8 : memref<!tpu.dma_semaphore, #tpu.memory_space<semaphore_mem>>)
    %dma_wait3A_31 = arith.constant 120 : i32
    %dma_wait3A_32 = tpu.memref_slice %arg5[%dma_wait3A_31] : memref<3000xi32, #tpu.memory_space<vmem>> -> memref<120xi32, #tpu.memory_space<vmem>>
    %dma_wait3A_33 = arith.constant 0 : i32
    %dma_wait3A_34 = arith.constant 0 : i32
    %dma_wait3A_35 = tpu.memref_slice %arg2[%dma_wait3A_33, %dma_wait3A_34] : memref<4096x64xf32, #tpu.memory_space<hbm>> -> memref<4096x64xf32, #tpu.memory_space<hbm>>
    tpu.wait_indirect_dma semaphore(%arg9 : memref<!tpu.dma_semaphore, #tpu.memory_space<semaphore_mem>>) src(%dma_wait3A_35 : memref<4096x64xf32, #tpu.memory_space<hbm>>) dst(%arg7 : memref<120x64xf32, #tpu.memory_space<vmem>>)
    %add3A_36 = arith.constant 120 : i32
    %add3A_37 = arith.addi %mul3A_2, %add3A_36 : i32
    %dma_start3A_38 = arith.constant 0 : i32
    %dma_start3A_39 = tpu.memref_slice %arg4[%add3A_37, %dma_start3A_38] : memref<96000x64xf32, #tpu.memory_space<hbm>> -> memref<120x64xf32, #tpu.memory_space<hbm>>
    %dma_start3A_40 = arith.constant 0 : i32
    %dma_start3A_41 = tpu.memref_slice %arg4[%add3A_37, %dma_start3A_40] : memref<96000x64xf32, #tpu.memory_space<hbm>> -> memref<120x64xf32, #tpu.memory_space<hbm>>
    tpu.enqueue_dma source(%arg7 : memref<120x64xf32, #tpu.memory_space<vmem>>) target(%dma_start3A_41 : memref<120x64xf32, #tpu.memory_space<hbm>>) target_semaphore(%arg11 : memref<!tpu.dma_semaphore, #tpu.memory_space<semaphore_mem>>)
    %dma_wait3A_42 = arith.constant 0 : i32
    %dma_wait3A_43 = tpu.memref_slice %arg4[%add3A_37, %dma_wait3A_42] : memref<96000x64xf32, #tpu.memory_space<hbm>> -> memref<120x64xf32, #tpu.memory_space<hbm>>
    %dma_wait3A_44 = arith.constant 0 : i32
    %dma_wait3A_45 = tpu.memref_slice %arg4[%add3A_37, %dma_wait3A_44] : memref<96000x64xf32, #tpu.memory_space<hbm>> -> memref<120x64xf32, #tpu.memory_space<hbm>>
    tpu.wait_dma2 semaphore(%arg11 : memref<!tpu.dma_semaphore, #tpu.memory_space<semaphore_mem>>) src(%arg7 : memref<120x64xf32, #tpu.memory_space<vmem>>) dst(%dma_wait3A_45 : memref<120x64xf32, #tpu.memory_space<hbm>>)
    %dma_start3A_46 = arith.constant 360 : i32
    %dma_start3A_47 = tpu.memref_slice %arg5[%dma_start3A_46] : memref<3000xi32, #tpu.memory_space<vmem>> -> memref<120xi32, #tpu.memory_space<vmem>>
    %dma_start3A_48 = arith.constant 0 : i32
    %dma_start3A_49 = arith.constant 0 : i32
    %dma_start3A_50 = tpu.memref_slice %arg2[%dma_start3A_48, %dma_start3A_49] : memref<4096x64xf32, #tpu.memory_space<hbm>> -> memref<4096x64xf32, #tpu.memory_space<hbm>>
    tpu.enqueue_indirect_dma source(%dma_start3A_50 : memref<4096x64xf32, #tpu.memory_space<hbm>>) target(%arg7 : memref<120x64xf32, #tpu.memory_space<vmem>>) offsets(%dma_start3A_47 : memref<120xi32, #tpu.memory_space<vmem>>) semaphore(%arg9 : memref<!tpu.dma_semaphore, #tpu.memory_space<semaphore_mem>>)
    %dma_wait3A_51 = arith.constant 240 : i32
    %dma_wait3A_52 = tpu.memref_slice %arg5[%dma_wait3A_51] : memref<3000xi32, #tpu.memory_space<vmem>> -> memref<120xi32, #tpu.memory_space<vmem>>
    %dma_wait3A_53 = arith.constant 0 : i32
    %dma_wait3A_54 = arith.constant 0 : i32
    %dma_wait3A_55 = tpu.memref_slice %arg2[%dma_wait3A_53, %dma_wait3A_54] : memref<4096x64xf32, #tpu.memory_space<hbm>> -> memref<4096x64xf32, #tpu.memory_space<hbm>>
    tpu.wait_indirect_dma semaphore(%arg8 : memref<!tpu.dma_semaphore, #tpu.memory_space<semaphore_mem>>) src(%dma_wait3A_55 : memref<4096x64xf32, #tpu.memory_space<hbm>>) dst(%arg6 : memref<120x64xf32, #tpu.memory_space<vmem>>)
    %add3A_56 = arith.constant 240 : i32
    %add3A_57 = arith.addi %mul3A_2, %add3A_56 : i32
    %dma_start3A_58 = arith.constant 0 : i32
    %dma_start3A_59 = tpu.memref_slice %arg4[%add3A_57, %dma_start3A_58] : memref<96000x64xf32, #tpu.memory_space<hbm>> -> memref<120x64xf32, #tpu.memory_space<hbm>>
    %dma_start3A_60 = arith.constant 0 : i32
    %dma_start3A_61 = tpu.memref_slice %arg4[%add3A_57, %dma_start3A_60] : memref<96000x64xf32, #tpu.memory_space<hbm>> -> memref<120x64xf32, #tpu.memory_space<hbm>>
    tpu.enqueue_dma source(%arg6 : memref<120x64xf32, #tpu.memory_space<vmem>>) target(%dma_start3A_61 : memref<120x64xf32, #tpu.memory_space<hbm>>) target_semaphore(%arg10 : memref<!tpu.dma_semaphore, #tpu.memory_space<semaphore_mem>>)
    %dma_wait3A_62 = arith.constant 0 : i32
    %dma_wait3A_63 = tpu.memref_slice %arg4[%add3A_57, %dma_wait3A_62] : memref<96000x64xf32, #tpu.memory_space<hbm>> -> memref<120x64xf32, #tpu.memory_space<hbm>>
    %dma_wait3A_64 = arith.constant 0 : i32
    %dma_wait3A_65 = tpu.memref_slice %arg4[%add3A_57, %dma_wait3A_64] : memref<96000x64xf32, #tpu.memory_space<hbm>> -> memref<120x64xf32, #tpu.memory_space<hbm>>
    tpu.wait_dma2 semaphore(%arg10 : memref<!tpu.dma_semaphore, #tpu.memory_space<semaphore_mem>>) src(%arg6 : memref<120x64xf32, #tpu.memory_space<vmem>>) dst(%dma_wait3A_65 : memref<120x64xf32, #tpu.memory_space<hbm>>)
    %dma_start3A_66 = arith.constant 480 : i32
    %dma_start3A_67 = tpu.memref_slice %arg5[%dma_start3A_66] : memref<3000xi32, #tpu.memory_space<vmem>> -> memref<120xi32, #tpu.memory_space<vmem>>
    %dma_start3A_68 = arith.constant 0 : i32
    %dma_start3A_69 = arith.constant 0 : i32
    %dma_start3A_70 = tpu.memref_slice %arg2[%dma_start3A_68, %dma_start3A_69] : memref<4096x64xf32, #tpu.memory_space<hbm>> -> memref<4096x64xf32, #tpu.memory_space<hbm>>
    tpu.enqueue_indirect_dma source(%dma_start3A_70 : memref<4096x64xf32, #tpu.memory_space<hbm>>) target(%arg6 : memref<120x64xf32, #tpu.memory_space<vmem>>) offsets(%dma_start3A_67 : memref<120xi32, #tpu.memory_space<vmem>>) semaphore(%arg8 : memref<!tpu.dma_semaphore, #tpu.memory_space<semaphore_mem>>)
    %dma_wait3A_71 = arith.constant 360 : i32
    %dma_wait3A_72 = tpu.memref_slice %arg5[%dma_wait3A_71] : memref<3000xi32, #tpu.memory_space<vmem>> -> memref<120xi32, #tpu.memory_space<vmem>>
    %dma_wait3A_73 = arith.constant 0 : i32
    %dma_wait3A_74 = arith.constant 0 : i32
    %dma_wait3A_75 = tpu.memref_slice %arg2[%dma_wait3A_73, %dma_wait3A_74] : memref<4096x64xf32, #tpu.memory_space<hbm>> -> memref<4096x64xf32, #tpu.memory_space<hbm>>
    tpu.wait_indirect_dma semaphore(%arg9 : memref<!tpu.dma_semaphore, #tpu.memory_space<semaphore_mem>>) src(%dma_wait3A_75 : memref<4096x64xf32, #tpu.memory_space<hbm>>) dst(%arg7 : memref<120x64xf32, #tpu.memory_space<vmem>>)
    %add3A_76 = arith.constant 360 : i32
    %add3A_77 = arith.addi %mul3A_2, %add3A_76 : i32
    %dma_start3A_78 = arith.constant 0 : i32
    %dma_start3A_79 = tpu.memref_slice %arg4[%add3A_77, %dma_start3A_78] : memref<96000x64xf32, #tpu.memory_space<hbm>> -> memref<120x64xf32, #tpu.memory_space<hbm>>
    %dma_start3A_80 = arith.constant 0 : i32
    %dma_start3A_81 = tpu.memref_slice %arg4[%add3A_77, %dma_start3A_80] : memref<96000x64xf32, #tpu.memory_space<hbm>> -> memref<120x64xf32, #tpu.memory_space<hbm>>
    tpu.enqueue_dma source(%arg7 : memref<120x64xf32, #tpu.memory_space<vmem>>) target(%dma_start3A_81 : memref<120x64xf32, #tpu.memory_space<hbm>>) target_semaphore(%arg11 : memref<!tpu.dma_semaphore, #tpu.memory_space<semaphore_mem>>)
    %dma_wait3A_82 = arith.constant 0 : i32
    %dma_wait3A_83 = tpu.memref_slice %arg4[%add3A_77, %dma_wait3A_82] : memref<96000x64xf32, #tpu.memory_space<hbm>> -> memref<120x64xf32, #tpu.memory_space<hbm>>
    %dma_wait3A_84 = arith.constant 0 : i32
    %dma_wait3A_85 = tpu.memref_slice %arg4[%add3A_77, %dma_wait3A_84] : memref<96000x64xf32, #tpu.memory_space<hbm>> -> memref<120x64xf32, #tpu.memory_space<hbm>>
    tpu.wait_dma2 semaphore(%arg11 : memref<!tpu.dma_semaphore, #tpu.memory_space<semaphore_mem>>) src(%arg7 : memref<120x64xf32, #tpu.memory_space<vmem>>) dst(%dma_wait3A_85 : memref<120x64xf32, #tpu.memory_space<hbm>>)
    %dma_start3A_86 = arith.constant 600 : i32
    %dma_start3A_87 = tpu.memref_slice %arg5[%dma_start3A_86] : memref<3000xi32, #tpu.memory_space<vmem>> -> memref<120xi32, #tpu.memory_space<vmem>>
    %dma_start3A_88 = arith.constant 0 : i32
    %dma_start3A_89 = arith.constant 0 : i32
    %dma_start3A_90 = tpu.memref_slice %arg2[%dma_start3A_88, %dma_start3A_89] : memref<4096x64xf32, #tpu.memory_space<hbm>> -> memref<4096x64xf32, #tpu.memory_space<hbm>>
    tpu.enqueue_indirect_dma source(%dma_start3A_90 : memref<4096x64xf32, #tpu.memory_space<hbm>>) target(%arg7 : memref<120x64xf32, #tpu.memory_space<vmem>>) offsets(%dma_start3A_87 : memref<120xi32, #tpu.memory_space<vmem>>) semaphore(%arg9 : memref<!tpu.dma_semaphore, #tpu.memory_space<semaphore_mem>>)
    %dma_wait3A_91 = arith.constant 480 : i32
    %dma_wait3A_92 = tpu.memref_slice %arg5[%dma_wait3A_91] : memref<3000xi32, #tpu.memory_space<vmem>> -> memref<120xi32, #tpu.memory_space<vmem>>
    %dma_wait3A_93 = arith.constant 0 : i32
    %dma_wait3A_94 = arith.constant 0 : i32
    %dma_wait3A_95 = tpu.memref_slice %arg2[%dma_wait3A_93, %dma_wait3A_94] : memref<4096x64xf32, #tpu.memory_space<hbm>> -> memref<4096x64xf32, #tpu.memory_space<hbm>>
    tpu.wait_indirect_dma semaphore(%arg8 : memref<!tpu.dma_semaphore, #tpu.memory_space<semaphore_mem>>) src(%dma_wait3A_95 : memref<4096x64xf32, #tpu.memory_space<hbm>>) dst(%arg6 : memref<120x64xf32, #tpu.memory_space<vmem>>)
    %add3A_96 = arith.constant 480 : i32
    %add3A_97 = arith.addi %mul3A_2, %add3A_96 : i32
    %dma_start3A_98 = arith.constant 0 : i32
    %dma_start3A_99 = tpu.memref_slice %arg4[%add3A_97, %dma_start3A_98] : memref<96000x64xf32, #tpu.memory_space<hbm>> -> memref<120x64xf32, #tpu.memory_space<hbm>>
    %dma_start3A_100 = arith.constant 0 : i32
    %dma_start3A_101 = tpu.memref_slice %arg4[%add3A_97, %dma_start3A_100] : memref<96000x64xf32, #tpu.memory_space<hbm>> -> memref<120x64xf32, #tpu.memory_space<hbm>>
    tpu.enqueue_dma source(%arg6 : memref<120x64xf32, #tpu.memory_space<vmem>>) target(%dma_start3A_101 : memref<120x64xf32, #tpu.memory_space<hbm>>) target_semaphore(%arg10 : memref<!tpu.dma_semaphore, #tpu.memory_space<semaphore_mem>>)
    %dma_wait3A_102 = arith.constant 0 : i32
    %dma_wait3A_103 = tpu.memref_slice %arg4[%add3A_97, %dma_wait3A_102] : memref<96000x64xf32, #tpu.memory_space<hbm>> -> memref<120x64xf32, #tpu.memory_space<hbm>>
    %dma_wait3A_104 = arith.constant 0 : i32
    %dma_wait3A_105 = tpu.memref_slice %arg4[%add3A_97, %dma_wait3A_104] : memref<96000x64xf32, #tpu.memory_space<hbm>> -> memref<120x64xf32, #tpu.memory_space<hbm>>
    tpu.wait_dma2 semaphore(%arg10 : memref<!tpu.dma_semaphore, #tpu.memory_space<semaphore_mem>>) src(%arg6 : memref<120x64xf32, #tpu.memory_space<vmem>>) dst(%dma_wait3A_105 : memref<120x64xf32, #tpu.memory_space<hbm>>)
    %dma_start3A_106 = arith.constant 720 : i32
    %dma_start3A_107 = tpu.memref_slice %arg5[%dma_start3A_106] : memref<3000xi32, #tpu.memory_space<vmem>> -> memref<120xi32, #tpu.memory_space<vmem>>
    %dma_start3A_108 = arith.constant 0 : i32
    %dma_start3A_109 = arith.constant 0 : i32
    %dma_start3A_110 = tpu.memref_slice %arg2[%dma_start3A_108, %dma_start3A_109] : memref<4096x64xf32, #tpu.memory_space<hbm>> -> memref<4096x64xf32, #tpu.memory_space<hbm>>
    tpu.enqueue_indirect_dma source(%dma_start3A_110 : memref<4096x64xf32, #tpu.memory_space<hbm>>) target(%arg6 : memref<120x64xf32, #tpu.memory_space<vmem>>) offsets(%dma_start3A_107 : memref<120xi32, #tpu.memory_space<vmem>>) semaphore(%arg8 : memref<!tpu.dma_semaphore, #tpu.memory_space<semaphore_mem>>)
    %dma_wait3A_111 = arith.constant 600 : i32
    %dma_wait3A_112 = tpu.memref_slice %arg5[%dma_wait3A_111] : memref<3000xi32, #tpu.memory_space<vmem>> -> memref<120xi32, #tpu.memory_space<vmem>>
    %dma_wait3A_113 = arith.constant 0 : i32
    %dma_wait3A_114 = arith.constant 0 : i32
    %dma_wait3A_115 = tpu.memref_slice %arg2[%dma_wait3A_113, %dma_wait3A_114] : memref<4096x64xf32, #tpu.memory_space<hbm>> -> memref<4096x64xf32, #tpu.memory_space<hbm>>
    tpu.wait_indirect_dma semaphore(%arg9 : memref<!tpu.dma_semaphore, #tpu.memory_space<semaphore_mem>>) src(%dma_wait3A_115 : memref<4096x64xf32, #tpu.memory_space<hbm>>) dst(%arg7 : memref<120x64xf32, #tpu.memory_space<vmem>>)
    %add3A_116 = arith.constant 600 : i32
    %add3A_117 = arith.addi %mul3A_2, %add3A_116 : i32
    %dma_start3A_118 = arith.constant 0 : i32
    %dma_start3A_119 = tpu.memref_slice %arg4[%add3A_117, %dma_start3A_118] : memref<96000x64xf32, #tpu.memory_space<hbm>> -> memref<120x64xf32, #tpu.memory_space<hbm>>
    %dma_start3A_120 = arith.constant 0 : i32
    %dma_start3A_121 = tpu.memref_slice %arg4[%add3A_117, %dma_start3A_120] : memref<96000x64xf32, #tpu.memory_space<hbm>> -> memref<120x64xf32, #tpu.memory_space<hbm>>
    tpu.enqueue_dma source(%arg7 : memref<120x64xf32, #tpu.memory_space<vmem>>) target(%dma_start3A_121 : memref<120x64xf32, #tpu.memory_space<hbm>>) target_semaphore(%arg11 : memref<!tpu.dma_semaphore, #tpu.memory_space<semaphore_mem>>)
    %dma_wait3A_122 = arith.constant 0 : i32
    %dma_wait3A_123 = tpu.memref_slice %arg4[%add3A_117, %dma_wait3A_122] : memref<96000x64xf32, #tpu.memory_space<hbm>> -> memref<120x64xf32, #tpu.memory_space<hbm>>
    %dma_wait3A_124 = arith.constant 0 : i32
    %dma_wait3A_125 = tpu.memref_slice %arg4[%add3A_117, %dma_wait3A_124] : memref<96000x64xf32, #tpu.memory_space<hbm>> -> memref<120x64xf32, #tpu.memory_space<hbm>>
    tpu.wait_dma2 semaphore(%arg11 : memref<!tpu.dma_semaphore, #tpu.memory_space<semaphore_mem>>) src(%arg7 : memref<120x64xf32, #tpu.memory_space<vmem>>) dst(%dma_wait3A_125 : memref<120x64xf32, #tpu.memory_space<hbm>>)
    %dma_start3A_126 = arith.constant 840 : i32
    %dma_start3A_127 = tpu.memref_slice %arg5[%dma_start3A_126] : memref<3000xi32, #tpu.memory_space<vmem>> -> memref<120xi32, #tpu.memory_space<vmem>>
    %dma_start3A_128 = arith.constant 0 : i32
    %dma_start3A_129 = arith.constant 0 : i32
    %dma_start3A_130 = tpu.memref_slice %arg2[%dma_start3A_128, %dma_start3A_129] : memref<4096x64xf32, #tpu.memory_space<hbm>> -> memref<4096x64xf32, #tpu.memory_space<hbm>>
    tpu.enqueue_indirect_dma source(%dma_start3A_130 : memref<4096x64xf32, #tpu.memory_space<hbm>>) target(%arg7 : memref<120x64xf32, #tpu.memory_space<vmem>>) offsets(%dma_start3A_127 : memref<120xi32, #tpu.memory_space<vmem>>) semaphore(%arg9 : memref<!tpu.dma_semaphore, #tpu.memory_space<semaphore_mem>>)
    %dma_wait3A_131 = arith.constant 720 : i32
    %dma_wait3A_132 = tpu.memref_slice %arg5[%dma_wait3A_131] : memref<3000xi32, #tpu.memory_space<vmem>> -> memref<120xi32, #tpu.memory_space<vmem>>
    %dma_wait3A_133 = arith.constant 0 : i32
    %dma_wait3A_134 = arith.constant 0 : i32
    %dma_wait3A_135 = tpu.memref_slice %arg2[%dma_wait3A_133, %dma_wait3A_134] : memref<4096x64xf32, #tpu.memory_space<hbm>> -> memref<4096x64xf32, #tpu.memory_space<hbm>>
    tpu.wait_indirect_dma semaphore(%arg8 : memref<!tpu.dma_semaphore, #tpu.memory_space<semaphore_mem>>) src(%dma_wait3A_135 : memref<4096x64xf32, #tpu.memory_space<hbm>>) dst(%arg6 : memref<120x64xf32, #tpu.memory_space<vmem>>)
    %add3A_136 = arith.constant 720 : i32
    %add3A_137 = arith.addi %mul3A_2, %add3A_136 : i32
    %dma_start3A_138 = arith.constant 0 : i32
    %dma_start3A_139 = tpu.memref_slice %arg4[%add3A_137, %dma_start3A_138] : memref<96000x64xf32, #tpu.memory_space<hbm>> -> memref<120x64xf32, #tpu.memory_space<hbm>>
    %dma_start3A_140 = arith.constant 0 : i32
    %dma_start3A_141 = tpu.memref_slice %arg4[%add3A_137, %dma_start3A_140] : memref<96000x64xf32, #tpu.memory_space<hbm>> -> memref<120x64xf32, #tpu.memory_space<hbm>>
    tpu.enqueue_dma source(%arg6 : memref<120x64xf32, #tpu.memory_space<vmem>>) target(%dma_start3A_141 : memref<120x64xf32, #tpu.memory_space<hbm>>) target_semaphore(%arg10 : memref<!tpu.dma_semaphore, #tpu.memory_space<semaphore_mem>>)
    %dma_wait3A_142 = arith.constant 0 : i32
    %dma_wait3A_143 = tpu.memref_slice %arg4[%add3A_137, %dma_wait3A_142] : memref<96000x64xf32, #tpu.memory_space<hbm>> -> memref<120x64xf32, #tpu.memory_space<hbm>>
    %dma_wait3A_144 = arith.constant 0 : i32
    %dma_wait3A_145 = tpu.memref_slice %arg4[%add3A_137, %dma_wait3A_144] : memref<96000x64xf32, #tpu.memory_space<hbm>> -> memref<120x64xf32, #tpu.memory_space<hbm>>
    tpu.wait_dma2 semaphore(%arg10 : memref<!tpu.dma_semaphore, #tpu.memory_space<semaphore_mem>>) src(%arg6 : memref<120x64xf32, #tpu.memory_space<vmem>>) dst(%dma_wait3A_145 : memref<120x64xf32, #tpu.memory_space<hbm>>)
    %dma_start3A_146 = arith.constant 960 : i32
    %dma_start3A_147 = tpu.memref_slice %arg5[%dma_start3A_146] : memref<3000xi32, #tpu.memory_space<vmem>> -> memref<120xi32, #tpu.memory_space<vmem>>
    %dma_start3A_148 = arith.constant 0 : i32
    %dma_start3A_149 = arith.constant 0 : i32
    %dma_start3A_150 = tpu.memref_slice %arg2[%dma_start3A_148, %dma_start3A_149] : memref<4096x64xf32, #tpu.memory_space<hbm>> -> memref<4096x64xf32, #tpu.memory_space<hbm>>
    tpu.enqueue_indirect_dma source(%dma_start3A_150 : memref<4096x64xf32, #tpu.memory_space<hbm>>) target(%arg6 : memref<120x64xf32, #tpu.memory_space<vmem>>) offsets(%dma_start3A_147 : memref<120xi32, #tpu.memory_space<vmem>>) semaphore(%arg8 : memref<!tpu.dma_semaphore, #tpu.memory_space<semaphore_mem>>)
    %dma_wait3A_151 = arith.constant 840 : i32
    %dma_wait3A_152 = tpu.memref_slice %arg5[%dma_wait3A_151] : memref<3000xi32, #tpu.memory_space<vmem>> -> memref<120xi32, #tpu.memory_space<vmem>>
    %dma_wait3A_153 = arith.constant 0 : i32
    %dma_wait3A_154 = arith.constant 0 : i32
    %dma_wait3A_155 = tpu.memref_slice %arg2[%dma_wait3A_153, %dma_wait3A_154] : memref<4096x64xf32, #tpu.memory_space<hbm>> -> memref<4096x64xf32, #tpu.memory_space<hbm>>
    tpu.wait_indirect_dma semaphore(%arg9 : memref<!tpu.dma_semaphore, #tpu.memory_space<semaphore_mem>>) src(%dma_wait3A_155 : memref<4096x64xf32, #tpu.memory_space<hbm>>) dst(%arg7 : memref<120x64xf32, #tpu.memory_space<vmem>>)
    %add3A_156 = arith.constant 840 : i32
    %add3A_157 = arith.addi %mul3A_2, %add3A_156 : i32
    %dma_start3A_158 = arith.constant 0 : i32
    %dma_start3A_159 = tpu.memref_slice %arg4[%add3A_157, %dma_start3A_158] : memref<96000x64xf32, #tpu.memory_space<hbm>> -> memref<120x64xf32, #tpu.memory_space<hbm>>
    %dma_start3A_160 = arith.constant 0 : i32
    %dma_start3A_161 = tpu.memref_slice %arg4[%add3A_157, %dma_start3A_160] : memref<96000x64xf32, #tpu.memory_space<hbm>> -> memref<120x64xf32, #tpu.memory_space<hbm>>
    tpu.enqueue_dma source(%arg7 : memref<120x64xf32, #tpu.memory_space<vmem>>) target(%dma_start3A_161 : memref<120x64xf32, #tpu.memory_space<hbm>>) target_semaphore(%arg11 : memref<!tpu.dma_semaphore, #tpu.memory_space<semaphore_mem>>)
    %dma_wait3A_162 = arith.constant 0 : i32
    %dma_wait3A_163 = tpu.memref_slice %arg4[%add3A_157, %dma_wait3A_162] : memref<96000x64xf32, #tpu.memory_space<hbm>> -> memref<120x64xf32, #tpu.memory_space<hbm>>
    %dma_wait3A_164 = arith.constant 0 : i32
    %dma_wait3A_165 = tpu.memref_slice %arg4[%add3A_157, %dma_wait3A_164] : memref<96000x64xf32, #tpu.memory_space<hbm>> -> memref<120x64xf32, #tpu.memory_space<hbm>>
    tpu.wait_dma2 semaphore(%arg11 : memref<!tpu.dma_semaphore, #tpu.memory_space<semaphore_mem>>) src(%arg7 : memref<120x64xf32, #tpu.memory_space<vmem>>) dst(%dma_wait3A_165 : memref<120x64xf32, #tpu.memory_space<hbm>>)
    %dma_start3A_166 = arith.constant 1080 : i32
    %dma_start3A_167 = tpu.memref_slice %arg5[%dma_start3A_166] : memref<3000xi32, #tpu.memory_space<vmem>> -> memref<120xi32, #tpu.memory_space<vmem>>
    %dma_start3A_168 = arith.constant 0 : i32
    %dma_start3A_169 = arith.constant 0 : i32
    %dma_start3A_170 = tpu.memref_slice %arg2[%dma_start3A_168, %dma_start3A_169] : memref<4096x64xf32, #tpu.memory_space<hbm>> -> memref<4096x64xf32, #tpu.memory_space<hbm>>
    tpu.enqueue_indirect_dma source(%dma_start3A_170 : memref<4096x64xf32, #tpu.memory_space<hbm>>) target(%arg7 : memref<120x64xf32, #tpu.memory_space<vmem>>) offsets(%dma_start3A_167 : memref<120xi32, #tpu.memory_space<vmem>>) semaphore(%arg9 : memref<!tpu.dma_semaphore, #tpu.memory_space<semaphore_mem>>)
    %dma_wait3A_171 = arith.constant 960 : i32
    %dma_wait3A_172 = tpu.memref_slice %arg5[%dma_wait3A_171] : memref<3000xi32, #tpu.memory_space<vmem>> -> memref<120xi32, #tpu.memory_space<vmem>>
    %dma_wait3A_173 = arith.constant 0 : i32
    %dma_wait3A_174 = arith.constant 0 : i32
    %dma_wait3A_175 = tpu.memref_slice %arg2[%dma_wait3A_173, %dma_wait3A_174] : memref<4096x64xf32, #tpu.memory_space<hbm>> -> memref<4096x64xf32, #tpu.memory_space<hbm>>
    tpu.wait_indirect_dma semaphore(%arg8 : memref<!tpu.dma_semaphore, #tpu.memory_space<semaphore_mem>>) src(%dma_wait3A_175 : memref<4096x64xf32, #tpu.memory_space<hbm>>) dst(%arg6 : memref<120x64xf32, #tpu.memory_space<vmem>>)
    %add3A_176 = arith.constant 960 : i32
    %add3A_177 = arith.addi %mul3A_2, %add3A_176 : i32
    %dma_start3A_178 = arith.constant 0 : i32
    %dma_start3A_179 = tpu.memref_slice %arg4[%add3A_177, %dma_start3A_178] : memref<96000x64xf32, #tpu.memory_space<hbm>> -> memref<120x64xf32, #tpu.memory_space<hbm>>
    %dma_start3A_180 = arith.constant 0 : i32
    %dma_start3A_181 = tpu.memref_slice %arg4[%add3A_177, %dma_start3A_180] : memref<96000x64xf32, #tpu.memory_space<hbm>> -> memref<120x64xf32, #tpu.memory_space<hbm>>
    tpu.enqueue_dma source(%arg6 : memref<120x64xf32, #tpu.memory_space<vmem>>) target(%dma_start3A_181 : memref<120x64xf32, #tpu.memory_space<hbm>>) target_semaphore(%arg10 : memref<!tpu.dma_semaphore, #tpu.memory_space<semaphore_mem>>)
    %dma_wait3A_182 = arith.constant 0 : i32
    %dma_wait3A_183 = tpu.memref_slice %arg4[%add3A_177, %dma_wait3A_182] : memref<96000x64xf32, #tpu.memory_space<hbm>> -> memref<120x64xf32, #tpu.memory_space<hbm>>
    %dma_wait3A_184 = arith.constant 0 : i32
    %dma_wait3A_185 = tpu.memref_slice %arg4[%add3A_177, %dma_wait3A_184] : memref<96000x64xf32, #tpu.memory_space<hbm>> -> memref<120x64xf32, #tpu.memory_space<hbm>>
    tpu.wait_dma2 semaphore(%arg10 : memref<!tpu.dma_semaphore, #tpu.memory_space<semaphore_mem>>) src(%arg6 : memref<120x64xf32, #tpu.memory_space<vmem>>) dst(%dma_wait3A_185 : memref<120x64xf32, #tpu.memory_space<hbm>>)
    %dma_start3A_186 = arith.constant 1200 : i32
    %dma_start3A_187 = tpu.memref_slice %arg5[%dma_start3A_186] : memref<3000xi32, #tpu.memory_space<vmem>> -> memref<120xi32, #tpu.memory_space<vmem>>
    %dma_start3A_188 = arith.constant 0 : i32
    %dma_start3A_189 = arith.constant 0 : i32
    %dma_start3A_190 = tpu.memref_slice %arg2[%dma_start3A_188, %dma_start3A_189] : memref<4096x64xf32, #tpu.memory_space<hbm>> -> memref<4096x64xf32, #tpu.memory_space<hbm>>
    tpu.enqueue_indirect_dma source(%dma_start3A_190 : memref<4096x64xf32, #tpu.memory_space<hbm>>) target(%arg6 : memref<120x64xf32, #tpu.memory_space<vmem>>) offsets(%dma_start3A_187 : memref<120xi32, #tpu.memory_space<vmem>>) semaphore(%arg8 : memref<!tpu.dma_semaphore, #tpu.memory_space<semaphore_mem>>)
    %dma_wait3A_191 = arith.constant 1080 : i32
    %dma_wait3A_192 = tpu.memref_slice %arg5[%dma_wait3A_191] : memref<3000xi32, #tpu.memory_space<vmem>> -> memref<120xi32, #tpu.memory_space<vmem>>
    %dma_wait3A_193 = arith.constant 0 : i32
    %dma_wait3A_194 = arith.constant 0 : i32
    %dma_wait3A_195 = tpu.memref_slice %arg2[%dma_wait3A_193, %dma_wait3A_194] : memref<4096x64xf32, #tpu.memory_space<hbm>> -> memref<4096x64xf32, #tpu.memory_space<hbm>>
    tpu.wait_indirect_dma semaphore(%arg9 : memref<!tpu.dma_semaphore, #tpu.memory_space<semaphore_mem>>) src(%dma_wait3A_195 : memref<4096x64xf32, #tpu.memory_space<hbm>>) dst(%arg7 : memref<120x64xf32, #tpu.memory_space<vmem>>)
    %add3A_196 = arith.constant 1080 : i32
    %add3A_197 = arith.addi %mul3A_2, %add3A_196 : i32
    %dma_start3A_198 = arith.constant 0 : i32
    %dma_start3A_199 = tpu.memref_slice %arg4[%add3A_197, %dma_start3A_198] : memref<96000x64xf32, #tpu.memory_space<hbm>> -> memref<120x64xf32, #tpu.memory_space<hbm>>
    %dma_start3A_200 = arith.constant 0 : i32
    %dma_start3A_201 = tpu.memref_slice %arg4[%add3A_197, %dma_start3A_200] : memref<96000x64xf32, #tpu.memory_space<hbm>> -> memref<120x64xf32, #tpu.memory_space<hbm>>
    tpu.enqueue_dma source(%arg7 : memref<120x64xf32, #tpu.memory_space<vmem>>) target(%dma_start3A_201 : memref<120x64xf32, #tpu.memory_space<hbm>>) target_semaphore(%arg11 : memref<!tpu.dma_semaphore, #tpu.memory_space<semaphore_mem>>)
    %dma_wait3A_202 = arith.constant 0 : i32
    %dma_wait3A_203 = tpu.memref_slice %arg4[%add3A_197, %dma_wait3A_202] : memref<96000x64xf32, #tpu.memory_space<hbm>> -> memref<120x64xf32, #tpu.memory_space<hbm>>
    %dma_wait3A_204 = arith.constant 0 : i32
    %dma_wait3A_205 = tpu.memref_slice %arg4[%add3A_197, %dma_wait3A_204] : memref<96000x64xf32, #tpu.memory_space<hbm>> -> memref<120x64xf32, #tpu.memory_space<hbm>>
    tpu.wait_dma2 semaphore(%arg11 : memref<!tpu.dma_semaphore, #tpu.memory_space<semaphore_mem>>) src(%arg7 : memref<120x64xf32, #tpu.memory_space<vmem>>) dst(%dma_wait3A_205 : memref<120x64xf32, #tpu.memory_space<hbm>>)
    %dma_start3A_206 = arith.constant 1320 : i32
    %dma_start3A_207 = tpu.memref_slice %arg5[%dma_start3A_206] : memref<3000xi32, #tpu.memory_space<vmem>> -> memref<120xi32, #tpu.memory_space<vmem>>
    %dma_start3A_208 = arith.constant 0 : i32
    %dma_start3A_209 = arith.constant 0 : i32
    %dma_start3A_210 = tpu.memref_slice %arg2[%dma_start3A_208, %dma_start3A_209] : memref<4096x64xf32, #tpu.memory_space<hbm>> -> memref<4096x64xf32, #tpu.memory_space<hbm>>
    tpu.enqueue_indirect_dma source(%dma_start3A_210 : memref<4096x64xf32, #tpu.memory_space<hbm>>) target(%arg7 : memref<120x64xf32, #tpu.memory_space<vmem>>) offsets(%dma_start3A_207 : memref<120xi32, #tpu.memory_space<vmem>>) semaphore(%arg9 : memref<!tpu.dma_semaphore, #tpu.memory_space<semaphore_mem>>)
    %dma_wait3A_211 = arith.constant 1200 : i32
    %dma_wait3A_212 = tpu.memref_slice %arg5[%dma_wait3A_211] : memref<3000xi32, #tpu.memory_space<vmem>> -> memref<120xi32, #tpu.memory_space<vmem>>
    %dma_wait3A_213 = arith.constant 0 : i32
    %dma_wait3A_214 = arith.constant 0 : i32
    %dma_wait3A_215 = tpu.memref_slice %arg2[%dma_wait3A_213, %dma_wait3A_214] : memref<4096x64xf32, #tpu.memory_space<hbm>> -> memref<4096x64xf32, #tpu.memory_space<hbm>>
    tpu.wait_indirect_dma semaphore(%arg8 : memref<!tpu.dma_semaphore, #tpu.memory_space<semaphore_mem>>) src(%dma_wait3A_215 : memref<4096x64xf32, #tpu.memory_space<hbm>>) dst(%arg6 : memref<120x64xf32, #tpu.memory_space<vmem>>)
    %add3A_216 = arith.constant 1200 : i32
    %add3A_217 = arith.addi %mul3A_2, %add3A_216 : i32
    %dma_start3A_218 = arith.constant 0 : i32
    %dma_start3A_219 = tpu.memref_slice %arg4[%add3A_217, %dma_start3A_218] : memref<96000x64xf32, #tpu.memory_space<hbm>> -> memref<120x64xf32, #tpu.memory_space<hbm>>
    %dma_start3A_220 = arith.constant 0 : i32
    %dma_start3A_221 = tpu.memref_slice %arg4[%add3A_217, %dma_start3A_220] : memref<96000x64xf32, #tpu.memory_space<hbm>> -> memref<120x64xf32, #tpu.memory_space<hbm>>
    tpu.enqueue_dma source(%arg6 : memref<120x64xf32, #tpu.memory_space<vmem>>) target(%dma_start3A_221 : memref<120x64xf32, #tpu.memory_space<hbm>>) target_semaphore(%arg10 : memref<!tpu.dma_semaphore, #tpu.memory_space<semaphore_mem>>)
    %dma_wait3A_222 = arith.constant 0 : i32
    %dma_wait3A_223 = tpu.memref_slice %arg4[%add3A_217, %dma_wait3A_222] : memref<96000x64xf32, #tpu.memory_space<hbm>> -> memref<120x64xf32, #tpu.memory_space<hbm>>
    %dma_wait3A_224 = arith.constant 0 : i32
    %dma_wait3A_225 = tpu.memref_slice %arg4[%add3A_217, %dma_wait3A_224] : memref<96000x64xf32, #tpu.memory_space<hbm>> -> memref<120x64xf32, #tpu.memory_space<hbm>>
    tpu.wait_dma2 semaphore(%arg10 : memref<!tpu.dma_semaphore, #tpu.memory_space<semaphore_mem>>) src(%arg6 : memref<120x64xf32, #tpu.memory_space<vmem>>) dst(%dma_wait3A_225 : memref<120x64xf32, #tpu.memory_space<hbm>>)
    %dma_start3A_226 = arith.constant 1440 : i32
    %dma_start3A_227 = tpu.memref_slice %arg5[%dma_start3A_226] : memref<3000xi32, #tpu.memory_space<vmem>> -> memref<120xi32, #tpu.memory_space<vmem>>
    %dma_start3A_228 = arith.constant 0 : i32
    %dma_start3A_229 = arith.constant 0 : i32
    %dma_start3A_230 = tpu.memref_slice %arg2[%dma_start3A_228, %dma_start3A_229] : memref<4096x64xf32, #tpu.memory_space<hbm>> -> memref<4096x64xf32, #tpu.memory_space<hbm>>
    tpu.enqueue_indirect_dma source(%dma_start3A_230 : memref<4096x64xf32, #tpu.memory_space<hbm>>) target(%arg6 : memref<120x64xf32, #tpu.memory_space<vmem>>) offsets(%dma_start3A_227 : memref<120xi32, #tpu.memory_space<vmem>>) semaphore(%arg8 : memref<!tpu.dma_semaphore, #tpu.memory_space<semaphore_mem>>)
    %dma_wait3A_231 = arith.constant 1320 : i32
    %dma_wait3A_232 = tpu.memref_slice %arg5[%dma_wait3A_231] : memref<3000xi32, #tpu.memory_space<vmem>> -> memref<120xi32, #tpu.memory_space<vmem>>
    %dma_wait3A_233 = arith.constant 0 : i32
    %dma_wait3A_234 = arith.constant 0 : i32
    %dma_wait3A_235 = tpu.memref_slice %arg2[%dma_wait3A_233, %dma_wait3A_234] : memref<4096x64xf32, #tpu.memory_space<hbm>> -> memref<4096x64xf32, #tpu.memory_space<hbm>>
    tpu.wait_indirect_dma semaphore(%arg9 : memref<!tpu.dma_semaphore, #tpu.memory_space<semaphore_mem>>) src(%dma_wait3A_235 : memref<4096x64xf32, #tpu.memory_space<hbm>>) dst(%arg7 : memref<120x64xf32, #tpu.memory_space<vmem>>)
    %add3A_236 = arith.constant 1320 : i32
    %add3A_237 = arith.addi %mul3A_2, %add3A_236 : i32
    %dma_start3A_238 = arith.constant 0 : i32
    %dma_start3A_239 = tpu.memref_slice %arg4[%add3A_237, %dma_start3A_238] : memref<96000x64xf32, #tpu.memory_space<hbm>> -> memref<120x64xf32, #tpu.memory_space<hbm>>
    %dma_start3A_240 = arith.constant 0 : i32
    %dma_start3A_241 = tpu.memref_slice %arg4[%add3A_237, %dma_start3A_240] : memref<96000x64xf32, #tpu.memory_space<hbm>> -> memref<120x64xf32, #tpu.memory_space<hbm>>
    tpu.enqueue_dma source(%arg7 : memref<120x64xf32, #tpu.memory_space<vmem>>) target(%dma_start3A_241 : memref<120x64xf32, #tpu.memory_space<hbm>>) target_semaphore(%arg11 : memref<!tpu.dma_semaphore, #tpu.memory_space<semaphore_mem>>)
    %dma_wait3A_242 = arith.constant 0 : i32
    %dma_wait3A_243 = tpu.memref_slice %arg4[%add3A_237, %dma_wait3A_242] : memref<96000x64xf32, #tpu.memory_space<hbm>> -> memref<120x64xf32, #tpu.memory_space<hbm>>
    %dma_wait3A_244 = arith.constant 0 : i32
    %dma_wait3A_245 = tpu.memref_slice %arg4[%add3A_237, %dma_wait3A_244] : memref<96000x64xf32, #tpu.memory_space<hbm>> -> memref<120x64xf32, #tpu.memory_space<hbm>>
    tpu.wait_dma2 semaphore(%arg11 : memref<!tpu.dma_semaphore, #tpu.memory_space<semaphore_mem>>) src(%arg7 : memref<120x64xf32, #tpu.memory_space<vmem>>) dst(%dma_wait3A_245 : memref<120x64xf32, #tpu.memory_space<hbm>>)
    %dma_start3A_246 = arith.constant 1560 : i32
    %dma_start3A_247 = tpu.memref_slice %arg5[%dma_start3A_246] : memref<3000xi32, #tpu.memory_space<vmem>> -> memref<120xi32, #tpu.memory_space<vmem>>
    %dma_start3A_248 = arith.constant 0 : i32
    %dma_start3A_249 = arith.constant 0 : i32
    %dma_start3A_250 = tpu.memref_slice %arg2[%dma_start3A_248, %dma_start3A_249] : memref<4096x64xf32, #tpu.memory_space<hbm>> -> memref<4096x64xf32, #tpu.memory_space<hbm>>
    tpu.enqueue_indirect_dma source(%dma_start3A_250 : memref<4096x64xf32, #tpu.memory_space<hbm>>) target(%arg7 : memref<120x64xf32, #tpu.memory_space<vmem>>) offsets(%dma_start3A_247 : memref<120xi32, #tpu.memory_space<vmem>>) semaphore(%arg9 : memref<!tpu.dma_semaphore, #tpu.memory_space<semaphore_mem>>)
    %dma_wait3A_251 = arith.constant 1440 : i32
    %dma_wait3A_252 = tpu.memref_slice %arg5[%dma_wait3A_251] : memref<3000xi32, #tpu.memory_space<vmem>> -> memref<120xi32, #tpu.memory_space<vmem>>
    %dma_wait3A_253 = arith.constant 0 : i32
    %dma_wait3A_254 = arith.constant 0 : i32
    %dma_wait3A_255 = tpu.memref_slice %arg2[%dma_wait3A_253, %dma_wait3A_254] : memref<4096x64xf32, #tpu.memory_space<hbm>> -> memref<4096x64xf32, #tpu.memory_space<hbm>>
    tpu.wait_indirect_dma semaphore(%arg8 : memref<!tpu.dma_semaphore, #tpu.memory_space<semaphore_mem>>) src(%dma_wait3A_255 : memref<4096x64xf32, #tpu.memory_space<hbm>>) dst(%arg6 : memref<120x64xf32, #tpu.memory_space<vmem>>)
    %add3A_256 = arith.constant 1440 : i32
    %add3A_257 = arith.addi %mul3A_2, %add3A_256 : i32
    %dma_start3A_258 = arith.constant 0 : i32
    %dma_start3A_259 = tpu.memref_slice %arg4[%add3A_257, %dma_start3A_258] : memref<96000x64xf32, #tpu.memory_space<hbm>> -> memref<120x64xf32, #tpu.memory_space<hbm>>
    %dma_start3A_260 = arith.constant 0 : i32
    %dma_start3A_261 = tpu.memref_slice %arg4[%add3A_257, %dma_start3A_260] : memref<96000x64xf32, #tpu.memory_space<hbm>> -> memref<120x64xf32, #tpu.memory_space<hbm>>
    tpu.enqueue_dma source(%arg6 : memref<120x64xf32, #tpu.memory_space<vmem>>) target(%dma_start3A_261 : memref<120x64xf32, #tpu.memory_space<hbm>>) target_semaphore(%arg10 : memref<!tpu.dma_semaphore, #tpu.memory_space<semaphore_mem>>)
    %dma_wait3A_262 = arith.constant 0 : i32
    %dma_wait3A_263 = tpu.memref_slice %arg4[%add3A_257, %dma_wait3A_262] : memref<96000x64xf32, #tpu.memory_space<hbm>> -> memref<120x64xf32, #tpu.memory_space<hbm>>
    %dma_wait3A_264 = arith.constant 0 : i32
    %dma_wait3A_265 = tpu.memref_slice %arg4[%add3A_257, %dma_wait3A_264] : memref<96000x64xf32, #tpu.memory_space<hbm>> -> memref<120x64xf32, #tpu.memory_space<hbm>>
    tpu.wait_dma2 semaphore(%arg10 : memref<!tpu.dma_semaphore, #tpu.memory_space<semaphore_mem>>) src(%arg6 : memref<120x64xf32, #tpu.memory_space<vmem>>) dst(%dma_wait3A_265 : memref<120x64xf32, #tpu.memory_space<hbm>>)
    %dma_start3A_266 = arith.constant 1680 : i32
    %dma_start3A_267 = tpu.memref_slice %arg5[%dma_start3A_266] : memref<3000xi32, #tpu.memory_space<vmem>> -> memref<120xi32, #tpu.memory_space<vmem>>
    %dma_start3A_268 = arith.constant 0 : i32
    %dma_start3A_269 = arith.constant 0 : i32
    %dma_start3A_270 = tpu.memref_slice %arg2[%dma_start3A_268, %dma_start3A_269] : memref<4096x64xf32, #tpu.memory_space<hbm>> -> memref<4096x64xf32, #tpu.memory_space<hbm>>
    tpu.enqueue_indirect_dma source(%dma_start3A_270 : memref<4096x64xf32, #tpu.memory_space<hbm>>) target(%arg6 : memref<120x64xf32, #tpu.memory_space<vmem>>) offsets(%dma_start3A_267 : memref<120xi32, #tpu.memory_space<vmem>>) semaphore(%arg8 : memref<!tpu.dma_semaphore, #tpu.memory_space<semaphore_mem>>)
    %dma_wait3A_271 = arith.constant 1560 : i32
    %dma_wait3A_272 = tpu.memref_slice %arg5[%dma_wait3A_271] : memref<3000xi32, #tpu.memory_space<vmem>> -> memref<120xi32, #tpu.memory_space<vmem>>
    %dma_wait3A_273 = arith.constant 0 : i32
    %dma_wait3A_274 = arith.constant 0 : i32
    %dma_wait3A_275 = tpu.memref_slice %arg2[%dma_wait3A_273, %dma_wait3A_274] : memref<4096x64xf32, #tpu.memory_space<hbm>> -> memref<4096x64xf32, #tpu.memory_space<hbm>>
    tpu.wait_indirect_dma semaphore(%arg9 : memref<!tpu.dma_semaphore, #tpu.memory_space<semaphore_mem>>) src(%dma_wait3A_275 : memref<4096x64xf32, #tpu.memory_space<hbm>>) dst(%arg7 : memref<120x64xf32, #tpu.memory_space<vmem>>)
    %add3A_276 = arith.constant 1560 : i32
    %add3A_277 = arith.addi %mul3A_2, %add3A_276 : i32
    %dma_start3A_278 = arith.constant 0 : i32
    %dma_start3A_279 = tpu.memref_slice %arg4[%add3A_277, %dma_start3A_278] : memref<96000x64xf32, #tpu.memory_space<hbm>> -> memref<120x64xf32, #tpu.memory_space<hbm>>
    %dma_start3A_280 = arith.constant 0 : i32
    %dma_start3A_281 = tpu.memref_slice %arg4[%add3A_277, %dma_start3A_280] : memref<96000x64xf32, #tpu.memory_space<hbm>> -> memref<120x64xf32, #tpu.memory_space<hbm>>
    tpu.enqueue_dma source(%arg7 : memref<120x64xf32, #tpu.memory_space<vmem>>) target(%dma_start3A_281 : memref<120x64xf32, #tpu.memory_space<hbm>>) target_semaphore(%arg11 : memref<!tpu.dma_semaphore, #tpu.memory_space<semaphore_mem>>)
    %dma_wait3A_282 = arith.constant 0 : i32
    %dma_wait3A_283 = tpu.memref_slice %arg4[%add3A_277, %dma_wait3A_282] : memref<96000x64xf32, #tpu.memory_space<hbm>> -> memref<120x64xf32, #tpu.memory_space<hbm>>
    %dma_wait3A_284 = arith.constant 0 : i32
    %dma_wait3A_285 = tpu.memref_slice %arg4[%add3A_277, %dma_wait3A_284] : memref<96000x64xf32, #tpu.memory_space<hbm>> -> memref<120x64xf32, #tpu.memory_space<hbm>>
    tpu.wait_dma2 semaphore(%arg11 : memref<!tpu.dma_semaphore, #tpu.memory_space<semaphore_mem>>) src(%arg7 : memref<120x64xf32, #tpu.memory_space<vmem>>) dst(%dma_wait3A_285 : memref<120x64xf32, #tpu.memory_space<hbm>>)
    %dma_start3A_286 = arith.constant 1800 : i32
    %dma_start3A_287 = tpu.memref_slice %arg5[%dma_start3A_286] : memref<3000xi32, #tpu.memory_space<vmem>> -> memref<120xi32, #tpu.memory_space<vmem>>
    %dma_start3A_288 = arith.constant 0 : i32
    %dma_start3A_289 = arith.constant 0 : i32
    %dma_start3A_290 = tpu.memref_slice %arg2[%dma_start3A_288, %dma_start3A_289] : memref<4096x64xf32, #tpu.memory_space<hbm>> -> memref<4096x64xf32, #tpu.memory_space<hbm>>
    tpu.enqueue_indirect_dma source(%dma_start3A_290 : memref<4096x64xf32, #tpu.memory_space<hbm>>) target(%arg7 : memref<120x64xf32, #tpu.memory_space<vmem>>) offsets(%dma_start3A_287 : memref<120xi32, #tpu.memory_space<vmem>>) semaphore(%arg9 : memref<!tpu.dma_semaphore, #tpu.memory_space<semaphore_mem>>)
    %dma_wait3A_291 = arith.constant 1680 : i32
    %dma_wait3A_292 = tpu.memref_slice %arg5[%dma_wait3A_291] : memref<3000xi32, #tpu.memory_space<vmem>> -> memref<120xi32, #tpu.memory_space<vmem>>
    %dma_wait3A_293 = arith.constant 0 : i32
    %dma_wait3A_294 = arith.constant 0 : i32
    %dma_wait3A_295 = tpu.memref_slice %arg2[%dma_wait3A_293, %dma_wait3A_294] : memref<4096x64xf32, #tpu.memory_space<hbm>> -> memref<4096x64xf32, #tpu.memory_space<hbm>>
    tpu.wait_indirect_dma semaphore(%arg8 : memref<!tpu.dma_semaphore, #tpu.memory_space<semaphore_mem>>) src(%dma_wait3A_295 : memref<4096x64xf32, #tpu.memory_space<hbm>>) dst(%arg6 : memref<120x64xf32, #tpu.memory_space<vmem>>)
    %add3A_296 = arith.constant 1680 : i32
    %add3A_297 = arith.addi %mul3A_2, %add3A_296 : i32
    %dma_start3A_298 = arith.constant 0 : i32
    %dma_start3A_299 = tpu.memref_slice %arg4[%add3A_297, %dma_start3A_298] : memref<96000x64xf32, #tpu.memory_space<hbm>> -> memref<120x64xf32, #tpu.memory_space<hbm>>
    %dma_start3A_300 = arith.constant 0 : i32
    %dma_start3A_301 = tpu.memref_slice %arg4[%add3A_297, %dma_start3A_300] : memref<96000x64xf32, #tpu.memory_space<hbm>> -> memref<120x64xf32, #tpu.memory_space<hbm>>
    tpu.enqueue_dma source(%arg6 : memref<120x64xf32, #tpu.memory_space<vmem>>) target(%dma_start3A_301 : memref<120x64xf32, #tpu.memory_space<hbm>>) target_semaphore(%arg10 : memref<!tpu.dma_semaphore, #tpu.memory_space<semaphore_mem>>)
    %dma_wait3A_302 = arith.constant 0 : i32
    %dma_wait3A_303 = tpu.memref_slice %arg4[%add3A_297, %dma_wait3A_302] : memref<96000x64xf32, #tpu.memory_space<hbm>> -> memref<120x64xf32, #tpu.memory_space<hbm>>
    %dma_wait3A_304 = arith.constant 0 : i32
    %dma_wait3A_305 = tpu.memref_slice %arg4[%add3A_297, %dma_wait3A_304] : memref<96000x64xf32, #tpu.memory_space<hbm>> -> memref<120x64xf32, #tpu.memory_space<hbm>>
    tpu.wait_dma2 semaphore(%arg10 : memref<!tpu.dma_semaphore, #tpu.memory_space<semaphore_mem>>) src(%arg6 : memref<120x64xf32, #tpu.memory_space<vmem>>) dst(%dma_wait3A_305 : memref<120x64xf32, #tpu.memory_space<hbm>>)
    %dma_start3A_306 = arith.constant 1920 : i32
    %dma_start3A_307 = tpu.memref_slice %arg5[%dma_start3A_306] : memref<3000xi32, #tpu.memory_space<vmem>> -> memref<120xi32, #tpu.memory_space<vmem>>
    %dma_start3A_308 = arith.constant 0 : i32
    %dma_start3A_309 = arith.constant 0 : i32
    %dma_start3A_310 = tpu.memref_slice %arg2[%dma_start3A_308, %dma_start3A_309] : memref<4096x64xf32, #tpu.memory_space<hbm>> -> memref<4096x64xf32, #tpu.memory_space<hbm>>
    tpu.enqueue_indirect_dma source(%dma_start3A_310 : memref<4096x64xf32, #tpu.memory_space<hbm>>) target(%arg6 : memref<120x64xf32, #tpu.memory_space<vmem>>) offsets(%dma_start3A_307 : memref<120xi32, #tpu.memory_space<vmem>>) semaphore(%arg8 : memref<!tpu.dma_semaphore, #tpu.memory_space<semaphore_mem>>)
    %dma_wait3A_311 = arith.constant 1800 : i32
    %dma_wait3A_312 = tpu.memref_slice %arg5[%dma_wait3A_311] : memref<3000xi32, #tpu.memory_space<vmem>> -> memref<120xi32, #tpu.memory_space<vmem>>
    %dma_wait3A_313 = arith.constant 0 : i32
    %dma_wait3A_314 = arith.constant 0 : i32
    %dma_wait3A_315 = tpu.memref_slice %arg2[%dma_wait3A_313, %dma_wait3A_314] : memref<4096x64xf32, #tpu.memory_space<hbm>> -> memref<4096x64xf32, #tpu.memory_space<hbm>>
    tpu.wait_indirect_dma semaphore(%arg9 : memref<!tpu.dma_semaphore, #tpu.memory_space<semaphore_mem>>) src(%dma_wait3A_315 : memref<4096x64xf32, #tpu.memory_space<hbm>>) dst(%arg7 : memref<120x64xf32, #tpu.memory_space<vmem>>)
    %add3A_316 = arith.constant 1800 : i32
    %add3A_317 = arith.addi %mul3A_2, %add3A_316 : i32
    %dma_start3A_318 = arith.constant 0 : i32
    %dma_start3A_319 = tpu.memref_slice %arg4[%add3A_317, %dma_start3A_318] : memref<96000x64xf32, #tpu.memory_space<hbm>> -> memref<120x64xf32, #tpu.memory_space<hbm>>
    %dma_start3A_320 = arith.constant 0 : i32
    %dma_start3A_321 = tpu.memref_slice %arg4[%add3A_317, %dma_start3A_320] : memref<96000x64xf32, #tpu.memory_space<hbm>> -> memref<120x64xf32, #tpu.memory_space<hbm>>
    tpu.enqueue_dma source(%arg7 : memref<120x64xf32, #tpu.memory_space<vmem>>) target(%dma_start3A_321 : memref<120x64xf32, #tpu.memory_space<hbm>>) target_semaphore(%arg11 : memref<!tpu.dma_semaphore, #tpu.memory_space<semaphore_mem>>)
    %dma_wait3A_322 = arith.constant 0 : i32
    %dma_wait3A_323 = tpu.memref_slice %arg4[%add3A_317, %dma_wait3A_322] : memref<96000x64xf32, #tpu.memory_space<hbm>> -> memref<120x64xf32, #tpu.memory_space<hbm>>
    %dma_wait3A_324 = arith.constant 0 : i32
    %dma_wait3A_325 = tpu.memref_slice %arg4[%add3A_317, %dma_wait3A_324] : memref<96000x64xf32, #tpu.memory_space<hbm>> -> memref<120x64xf32, #tpu.memory_space<hbm>>
    tpu.wait_dma2 semaphore(%arg11 : memref<!tpu.dma_semaphore, #tpu.memory_space<semaphore_mem>>) src(%arg7 : memref<120x64xf32, #tpu.memory_space<vmem>>) dst(%dma_wait3A_325 : memref<120x64xf32, #tpu.memory_space<hbm>>)
    %dma_start3A_326 = arith.constant 2040 : i32
    %dma_start3A_327 = tpu.memref_slice %arg5[%dma_start3A_326] : memref<3000xi32, #tpu.memory_space<vmem>> -> memref<120xi32, #tpu.memory_space<vmem>>
    %dma_start3A_328 = arith.constant 0 : i32
    %dma_start3A_329 = arith.constant 0 : i32
    %dma_start3A_330 = tpu.memref_slice %arg2[%dma_start3A_328, %dma_start3A_329] : memref<4096x64xf32, #tpu.memory_space<hbm>> -> memref<4096x64xf32, #tpu.memory_space<hbm>>
    tpu.enqueue_indirect_dma source(%dma_start3A_330 : memref<4096x64xf32, #tpu.memory_space<hbm>>) target(%arg7 : memref<120x64xf32, #tpu.memory_space<vmem>>) offsets(%dma_start3A_327 : memref<120xi32, #tpu.memory_space<vmem>>) semaphore(%arg9 : memref<!tpu.dma_semaphore, #tpu.memory_space<semaphore_mem>>)
    %dma_wait3A_331 = arith.constant 1920 : i32
    %dma_wait3A_332 = tpu.memref_slice %arg5[%dma_wait3A_331] : memref<3000xi32, #tpu.memory_space<vmem>> -> memref<120xi32, #tpu.memory_space<vmem>>
    %dma_wait3A_333 = arith.constant 0 : i32
    %dma_wait3A_334 = arith.constant 0 : i32
    %dma_wait3A_335 = tpu.memref_slice %arg2[%dma_wait3A_333, %dma_wait3A_334] : memref<4096x64xf32, #tpu.memory_space<hbm>> -> memref<4096x64xf32, #tpu.memory_space<hbm>>
    tpu.wait_indirect_dma semaphore(%arg8 : memref<!tpu.dma_semaphore, #tpu.memory_space<semaphore_mem>>) src(%dma_wait3A_335 : memref<4096x64xf32, #tpu.memory_space<hbm>>) dst(%arg6 : memref<120x64xf32, #tpu.memory_space<vmem>>)
    %add3A_336 = arith.constant 1920 : i32
    %add3A_337 = arith.addi %mul3A_2, %add3A_336 : i32
    %dma_start3A_338 = arith.constant 0 : i32
    %dma_start3A_339 = tpu.memref_slice %arg4[%add3A_337, %dma_start3A_338] : memref<96000x64xf32, #tpu.memory_space<hbm>> -> memref<120x64xf32, #tpu.memory_space<hbm>>
    %dma_start3A_340 = arith.constant 0 : i32
    %dma_start3A_341 = tpu.memref_slice %arg4[%add3A_337, %dma_start3A_340] : memref<96000x64xf32, #tpu.memory_space<hbm>> -> memref<120x64xf32, #tpu.memory_space<hbm>>
    tpu.enqueue_dma source(%arg6 : memref<120x64xf32, #tpu.memory_space<vmem>>) target(%dma_start3A_341 : memref<120x64xf32, #tpu.memory_space<hbm>>) target_semaphore(%arg10 : memref<!tpu.dma_semaphore, #tpu.memory_space<semaphore_mem>>)
    %dma_wait3A_342 = arith.constant 0 : i32
    %dma_wait3A_343 = tpu.memref_slice %arg4[%add3A_337, %dma_wait3A_342] : memref<96000x64xf32, #tpu.memory_space<hbm>> -> memref<120x64xf32, #tpu.memory_space<hbm>>
    %dma_wait3A_344 = arith.constant 0 : i32
    %dma_wait3A_345 = tpu.memref_slice %arg4[%add3A_337, %dma_wait3A_344] : memref<96000x64xf32, #tpu.memory_space<hbm>> -> memref<120x64xf32, #tpu.memory_space<hbm>>
    tpu.wait_dma2 semaphore(%arg10 : memref<!tpu.dma_semaphore, #tpu.memory_space<semaphore_mem>>) src(%arg6 : memref<120x64xf32, #tpu.memory_space<vmem>>) dst(%dma_wait3A_345 : memref<120x64xf32, #tpu.memory_space<hbm>>)
    %dma_start3A_346 = arith.constant 2160 : i32
    %dma_start3A_347 = tpu.memref_slice %arg5[%dma_start3A_346] : memref<3000xi32, #tpu.memory_space<vmem>> -> memref<120xi32, #tpu.memory_space<vmem>>
    %dma_start3A_348 = arith.constant 0 : i32
    %dma_start3A_349 = arith.constant 0 : i32
    %dma_start3A_350 = tpu.memref_slice %arg2[%dma_start3A_348, %dma_start3A_349] : memref<4096x64xf32, #tpu.memory_space<hbm>> -> memref<4096x64xf32, #tpu.memory_space<hbm>>
    tpu.enqueue_indirect_dma source(%dma_start3A_350 : memref<4096x64xf32, #tpu.memory_space<hbm>>) target(%arg6 : memref<120x64xf32, #tpu.memory_space<vmem>>) offsets(%dma_start3A_347 : memref<120xi32, #tpu.memory_space<vmem>>) semaphore(%arg8 : memref<!tpu.dma_semaphore, #tpu.memory_space<semaphore_mem>>)
    %dma_wait3A_351 = arith.constant 2040 : i32
    %dma_wait3A_352 = tpu.memref_slice %arg5[%dma_wait3A_351] : memref<3000xi32, #tpu.memory_space<vmem>> -> memref<120xi32, #tpu.memory_space<vmem>>
    %dma_wait3A_353 = arith.constant 0 : i32
    %dma_wait3A_354 = arith.constant 0 : i32
    %dma_wait3A_355 = tpu.memref_slice %arg2[%dma_wait3A_353, %dma_wait3A_354] : memref<4096x64xf32, #tpu.memory_space<hbm>> -> memref<4096x64xf32, #tpu.memory_space<hbm>>
    tpu.wait_indirect_dma semaphore(%arg9 : memref<!tpu.dma_semaphore, #tpu.memory_space<semaphore_mem>>) src(%dma_wait3A_355 : memref<4096x64xf32, #tpu.memory_space<hbm>>) dst(%arg7 : memref<120x64xf32, #tpu.memory_space<vmem>>)
    %add3A_356 = arith.constant 2040 : i32
    %add3A_357 = arith.addi %mul3A_2, %add3A_356 : i32
    %dma_start3A_358 = arith.constant 0 : i32
    %dma_start3A_359 = tpu.memref_slice %arg4[%add3A_357, %dma_start3A_358] : memref<96000x64xf32, #tpu.memory_space<hbm>> -> memref<120x64xf32, #tpu.memory_space<hbm>>
    %dma_start3A_360 = arith.constant 0 : i32
    %dma_start3A_361 = tpu.memref_slice %arg4[%add3A_357, %dma_start3A_360] : memref<96000x64xf32, #tpu.memory_space<hbm>> -> memref<120x64xf32, #tpu.memory_space<hbm>>
    tpu.enqueue_dma source(%arg7 : memref<120x64xf32, #tpu.memory_space<vmem>>) target(%dma_start3A_361 : memref<120x64xf32, #tpu.memory_space<hbm>>) target_semaphore(%arg11 : memref<!tpu.dma_semaphore, #tpu.memory_space<semaphore_mem>>)
    %dma_wait3A_362 = arith.constant 0 : i32
    %dma_wait3A_363 = tpu.memref_slice %arg4[%add3A_357, %dma_wait3A_362] : memref<96000x64xf32, #tpu.memory_space<hbm>> -> memref<120x64xf32, #tpu.memory_space<hbm>>
    %dma_wait3A_364 = arith.constant 0 : i32
    %dma_wait3A_365 = tpu.memref_slice %arg4[%add3A_357, %dma_wait3A_364] : memref<96000x64xf32, #tpu.memory_space<hbm>> -> memref<120x64xf32, #tpu.memory_space<hbm>>
    tpu.wait_dma2 semaphore(%arg11 : memref<!tpu.dma_semaphore, #tpu.memory_space<semaphore_mem>>) src(%arg7 : memref<120x64xf32, #tpu.memory_space<vmem>>) dst(%dma_wait3A_365 : memref<120x64xf32, #tpu.memory_space<hbm>>)
    %dma_start3A_366 = arith.constant 2280 : i32
    %dma_start3A_367 = tpu.memref_slice %arg5[%dma_start3A_366] : memref<3000xi32, #tpu.memory_space<vmem>> -> memref<120xi32, #tpu.memory_space<vmem>>
    %dma_start3A_368 = arith.constant 0 : i32
    %dma_start3A_369 = arith.constant 0 : i32
    %dma_start3A_370 = tpu.memref_slice %arg2[%dma_start3A_368, %dma_start3A_369] : memref<4096x64xf32, #tpu.memory_space<hbm>> -> memref<4096x64xf32, #tpu.memory_space<hbm>>
    tpu.enqueue_indirect_dma source(%dma_start3A_370 : memref<4096x64xf32, #tpu.memory_space<hbm>>) target(%arg7 : memref<120x64xf32, #tpu.memory_space<vmem>>) offsets(%dma_start3A_367 : memref<120xi32, #tpu.memory_space<vmem>>) semaphore(%arg9 : memref<!tpu.dma_semaphore, #tpu.memory_space<semaphore_mem>>)
    %dma_wait3A_371 = arith.constant 2160 : i32
    %dma_wait3A_372 = tpu.memref_slice %arg5[%dma_wait3A_371] : memref<3000xi32, #tpu.memory_space<vmem>> -> memref<120xi32, #tpu.memory_space<vmem>>
    %dma_wait3A_373 = arith.constant 0 : i32
    %dma_wait3A_374 = arith.constant 0 : i32
    %dma_wait3A_375 = tpu.memref_slice %arg2[%dma_wait3A_373, %dma_wait3A_374] : memref<4096x64xf32, #tpu.memory_space<hbm>> -> memref<4096x64xf32, #tpu.memory_space<hbm>>
    tpu.wait_indirect_dma semaphore(%arg8 : memref<!tpu.dma_semaphore, #tpu.memory_space<semaphore_mem>>) src(%dma_wait3A_375 : memref<4096x64xf32, #tpu.memory_space<hbm>>) dst(%arg6 : memref<120x64xf32, #tpu.memory_space<vmem>>)
    %add3A_376 = arith.constant 2160 : i32
    %add3A_377 = arith.addi %mul3A_2, %add3A_376 : i32
    %dma_start3A_378 = arith.constant 0 : i32
    %dma_start3A_379 = tpu.memref_slice %arg4[%add3A_377, %dma_start3A_378] : memref<96000x64xf32, #tpu.memory_space<hbm>> -> memref<120x64xf32, #tpu.memory_space<hbm>>
    %dma_start3A_380 = arith.constant 0 : i32
    %dma_start3A_381 = tpu.memref_slice %arg4[%add3A_377, %dma_start3A_380] : memref<96000x64xf32, #tpu.memory_space<hbm>> -> memref<120x64xf32, #tpu.memory_space<hbm>>
    tpu.enqueue_dma source(%arg6 : memref<120x64xf32, #tpu.memory_space<vmem>>) target(%dma_start3A_381 : memref<120x64xf32, #tpu.memory_space<hbm>>) target_semaphore(%arg10 : memref<!tpu.dma_semaphore, #tpu.memory_space<semaphore_mem>>)
    %dma_wait3A_382 = arith.constant 0 : i32
    %dma_wait3A_383 = tpu.memref_slice %arg4[%add3A_377, %dma_wait3A_382] : memref<96000x64xf32, #tpu.memory_space<hbm>> -> memref<120x64xf32, #tpu.memory_space<hbm>>
    %dma_wait3A_384 = arith.constant 0 : i32
    %dma_wait3A_385 = tpu.memref_slice %arg4[%add3A_377, %dma_wait3A_384] : memref<96000x64xf32, #tpu.memory_space<hbm>> -> memref<120x64xf32, #tpu.memory_space<hbm>>
    tpu.wait_dma2 semaphore(%arg10 : memref<!tpu.dma_semaphore, #tpu.memory_space<semaphore_mem>>) src(%arg6 : memref<120x64xf32, #tpu.memory_space<vmem>>) dst(%dma_wait3A_385 : memref<120x64xf32, #tpu.memory_space<hbm>>)
    %dma_start3A_386 = arith.constant 2400 : i32
    %dma_start3A_387 = tpu.memref_slice %arg5[%dma_start3A_386] : memref<3000xi32, #tpu.memory_space<vmem>> -> memref<120xi32, #tpu.memory_space<vmem>>
    %dma_start3A_388 = arith.constant 0 : i32
    %dma_start3A_389 = arith.constant 0 : i32
    %dma_start3A_390 = tpu.memref_slice %arg2[%dma_start3A_388, %dma_start3A_389] : memref<4096x64xf32, #tpu.memory_space<hbm>> -> memref<4096x64xf32, #tpu.memory_space<hbm>>
    tpu.enqueue_indirect_dma source(%dma_start3A_390 : memref<4096x64xf32, #tpu.memory_space<hbm>>) target(%arg6 : memref<120x64xf32, #tpu.memory_space<vmem>>) offsets(%dma_start3A_387 : memref<120xi32, #tpu.memory_space<vmem>>) semaphore(%arg8 : memref<!tpu.dma_semaphore, #tpu.memory_space<semaphore_mem>>)
    %dma_wait3A_391 = arith.constant 2280 : i32
    %dma_wait3A_392 = tpu.memref_slice %arg5[%dma_wait3A_391] : memref<3000xi32, #tpu.memory_space<vmem>> -> memref<120xi32, #tpu.memory_space<vmem>>
    %dma_wait3A_393 = arith.constant 0 : i32
    %dma_wait3A_394 = arith.constant 0 : i32
    %dma_wait3A_395 = tpu.memref_slice %arg2[%dma_wait3A_393, %dma_wait3A_394] : memref<4096x64xf32, #tpu.memory_space<hbm>> -> memref<4096x64xf32, #tpu.memory_space<hbm>>
    tpu.wait_indirect_dma semaphore(%arg9 : memref<!tpu.dma_semaphore, #tpu.memory_space<semaphore_mem>>) src(%dma_wait3A_395 : memref<4096x64xf32, #tpu.memory_space<hbm>>) dst(%arg7 : memref<120x64xf32, #tpu.memory_space<vmem>>)
    %add3A_396 = arith.constant 2280 : i32
    %add3A_397 = arith.addi %mul3A_2, %add3A_396 : i32
    %dma_start3A_398 = arith.constant 0 : i32
    %dma_start3A_399 = tpu.memref_slice %arg4[%add3A_397, %dma_start3A_398] : memref<96000x64xf32, #tpu.memory_space<hbm>> -> memref<120x64xf32, #tpu.memory_space<hbm>>
    %dma_start3A_400 = arith.constant 0 : i32
    %dma_start3A_401 = tpu.memref_slice %arg4[%add3A_397, %dma_start3A_400] : memref<96000x64xf32, #tpu.memory_space<hbm>> -> memref<120x64xf32, #tpu.memory_space<hbm>>
    tpu.enqueue_dma source(%arg7 : memref<120x64xf32, #tpu.memory_space<vmem>>) target(%dma_start3A_401 : memref<120x64xf32, #tpu.memory_space<hbm>>) target_semaphore(%arg11 : memref<!tpu.dma_semaphore, #tpu.memory_space<semaphore_mem>>)
    %dma_wait3A_402 = arith.constant 0 : i32
    %dma_wait3A_403 = tpu.memref_slice %arg4[%add3A_397, %dma_wait3A_402] : memref<96000x64xf32, #tpu.memory_space<hbm>> -> memref<120x64xf32, #tpu.memory_space<hbm>>
    %dma_wait3A_404 = arith.constant 0 : i32
    %dma_wait3A_405 = tpu.memref_slice %arg4[%add3A_397, %dma_wait3A_404] : memref<96000x64xf32, #tpu.memory_space<hbm>> -> memref<120x64xf32, #tpu.memory_space<hbm>>
    tpu.wait_dma2 semaphore(%arg11 : memref<!tpu.dma_semaphore, #tpu.memory_space<semaphore_mem>>) src(%arg7 : memref<120x64xf32, #tpu.memory_space<vmem>>) dst(%dma_wait3A_405 : memref<120x64xf32, #tpu.memory_space<hbm>>)
    %dma_start3A_406 = arith.constant 2520 : i32
    %dma_start3A_407 = tpu.memref_slice %arg5[%dma_start3A_406] : memref<3000xi32, #tpu.memory_space<vmem>> -> memref<120xi32, #tpu.memory_space<vmem>>
    %dma_start3A_408 = arith.constant 0 : i32
    %dma_start3A_409 = arith.constant 0 : i32
    %dma_start3A_410 = tpu.memref_slice %arg2[%dma_start3A_408, %dma_start3A_409] : memref<4096x64xf32, #tpu.memory_space<hbm>> -> memref<4096x64xf32, #tpu.memory_space<hbm>>
    tpu.enqueue_indirect_dma source(%dma_start3A_410 : memref<4096x64xf32, #tpu.memory_space<hbm>>) target(%arg7 : memref<120x64xf32, #tpu.memory_space<vmem>>) offsets(%dma_start3A_407 : memref<120xi32, #tpu.memory_space<vmem>>) semaphore(%arg9 : memref<!tpu.dma_semaphore, #tpu.memory_space<semaphore_mem>>)
    %dma_wait3A_411 = arith.constant 2400 : i32
    %dma_wait3A_412 = tpu.memref_slice %arg5[%dma_wait3A_411] : memref<3000xi32, #tpu.memory_space<vmem>> -> memref<120xi32, #tpu.memory_space<vmem>>
    %dma_wait3A_413 = arith.constant 0 : i32
    %dma_wait3A_414 = arith.constant 0 : i32
    %dma_wait3A_415 = tpu.memref_slice %arg2[%dma_wait3A_413, %dma_wait3A_414] : memref<4096x64xf32, #tpu.memory_space<hbm>> -> memref<4096x64xf32, #tpu.memory_space<hbm>>
    tpu.wait_indirect_dma semaphore(%arg8 : memref<!tpu.dma_semaphore, #tpu.memory_space<semaphore_mem>>) src(%dma_wait3A_415 : memref<4096x64xf32, #tpu.memory_space<hbm>>) dst(%arg6 : memref<120x64xf32, #tpu.memory_space<vmem>>)
    %add3A_416 = arith.constant 2400 : i32
    %add3A_417 = arith.addi %mul3A_2, %add3A_416 : i32
    %dma_start3A_418 = arith.constant 0 : i32
    %dma_start3A_419 = tpu.memref_slice %arg4[%add3A_417, %dma_start3A_418] : memref<96000x64xf32, #tpu.memory_space<hbm>> -> memref<120x64xf32, #tpu.memory_space<hbm>>
    %dma_start3A_420 = arith.constant 0 : i32
    %dma_start3A_421 = tpu.memref_slice %arg4[%add3A_417, %dma_start3A_420] : memref<96000x64xf32, #tpu.memory_space<hbm>> -> memref<120x64xf32, #tpu.memory_space<hbm>>
    tpu.enqueue_dma source(%arg6 : memref<120x64xf32, #tpu.memory_space<vmem>>) target(%dma_start3A_421 : memref<120x64xf32, #tpu.memory_space<hbm>>) target_semaphore(%arg10 : memref<!tpu.dma_semaphore, #tpu.memory_space<semaphore_mem>>)
    %dma_wait3A_422 = arith.constant 0 : i32
    %dma_wait3A_423 = tpu.memref_slice %arg4[%add3A_417, %dma_wait3A_422] : memref<96000x64xf32, #tpu.memory_space<hbm>> -> memref<120x64xf32, #tpu.memory_space<hbm>>
    %dma_wait3A_424 = arith.constant 0 : i32
    %dma_wait3A_425 = tpu.memref_slice %arg4[%add3A_417, %dma_wait3A_424] : memref<96000x64xf32, #tpu.memory_space<hbm>> -> memref<120x64xf32, #tpu.memory_space<hbm>>
    tpu.wait_dma2 semaphore(%arg10 : memref<!tpu.dma_semaphore, #tpu.memory_space<semaphore_mem>>) src(%arg6 : memref<120x64xf32, #tpu.memory_space<vmem>>) dst(%dma_wait3A_425 : memref<120x64xf32, #tpu.memory_space<hbm>>)
    %dma_start3A_426 = arith.constant 2640 : i32
    %dma_start3A_427 = tpu.memref_slice %arg5[%dma_start3A_426] : memref<3000xi32, #tpu.memory_space<vmem>> -> memref<120xi32, #tpu.memory_space<vmem>>
    %dma_start3A_428 = arith.constant 0 : i32
    %dma_start3A_429 = arith.constant 0 : i32
    %dma_start3A_430 = tpu.memref_slice %arg2[%dma_start3A_428, %dma_start3A_429] : memref<4096x64xf32, #tpu.memory_space<hbm>> -> memref<4096x64xf32, #tpu.memory_space<hbm>>
    tpu.enqueue_indirect_dma source(%dma_start3A_430 : memref<4096x64xf32, #tpu.memory_space<hbm>>) target(%arg6 : memref<120x64xf32, #tpu.memory_space<vmem>>) offsets(%dma_start3A_427 : memref<120xi32, #tpu.memory_space<vmem>>) semaphore(%arg8 : memref<!tpu.dma_semaphore, #tpu.memory_space<semaphore_mem>>)
    %dma_wait3A_431 = arith.constant 2520 : i32
    %dma_wait3A_432 = tpu.memref_slice %arg5[%dma_wait3A_431] : memref<3000xi32, #tpu.memory_space<vmem>> -> memref<120xi32, #tpu.memory_space<vmem>>
    %dma_wait3A_433 = arith.constant 0 : i32
    %dma_wait3A_434 = arith.constant 0 : i32
    %dma_wait3A_435 = tpu.memref_slice %arg2[%dma_wait3A_433, %dma_wait3A_434] : memref<4096x64xf32, #tpu.memory_space<hbm>> -> memref<4096x64xf32, #tpu.memory_space<hbm>>
    tpu.wait_indirect_dma semaphore(%arg9 : memref<!tpu.dma_semaphore, #tpu.memory_space<semaphore_mem>>) src(%dma_wait3A_435 : memref<4096x64xf32, #tpu.memory_space<hbm>>) dst(%arg7 : memref<120x64xf32, #tpu.memory_space<vmem>>)
    %add3A_436 = arith.constant 2520 : i32
    %add3A_437 = arith.addi %mul3A_2, %add3A_436 : i32
    %dma_start3A_438 = arith.constant 0 : i32
    %dma_start3A_439 = tpu.memref_slice %arg4[%add3A_437, %dma_start3A_438] : memref<96000x64xf32, #tpu.memory_space<hbm>> -> memref<120x64xf32, #tpu.memory_space<hbm>>
    %dma_start3A_440 = arith.constant 0 : i32
    %dma_start3A_441 = tpu.memref_slice %arg4[%add3A_437, %dma_start3A_440] : memref<96000x64xf32, #tpu.memory_space<hbm>> -> memref<120x64xf32, #tpu.memory_space<hbm>>
    tpu.enqueue_dma source(%arg7 : memref<120x64xf32, #tpu.memory_space<vmem>>) target(%dma_start3A_441 : memref<120x64xf32, #tpu.memory_space<hbm>>) target_semaphore(%arg11 : memref<!tpu.dma_semaphore, #tpu.memory_space<semaphore_mem>>)
    %dma_wait3A_442 = arith.constant 0 : i32
    %dma_wait3A_443 = tpu.memref_slice %arg4[%add3A_437, %dma_wait3A_442] : memref<96000x64xf32, #tpu.memory_space<hbm>> -> memref<120x64xf32, #tpu.memory_space<hbm>>
    %dma_wait3A_444 = arith.constant 0 : i32
    %dma_wait3A_445 = tpu.memref_slice %arg4[%add3A_437, %dma_wait3A_444] : memref<96000x64xf32, #tpu.memory_space<hbm>> -> memref<120x64xf32, #tpu.memory_space<hbm>>
    tpu.wait_dma2 semaphore(%arg11 : memref<!tpu.dma_semaphore, #tpu.memory_space<semaphore_mem>>) src(%arg7 : memref<120x64xf32, #tpu.memory_space<vmem>>) dst(%dma_wait3A_445 : memref<120x64xf32, #tpu.memory_space<hbm>>)
    %dma_start3A_446 = arith.constant 2760 : i32
    %dma_start3A_447 = tpu.memref_slice %arg5[%dma_start3A_446] : memref<3000xi32, #tpu.memory_space<vmem>> -> memref<120xi32, #tpu.memory_space<vmem>>
    %dma_start3A_448 = arith.constant 0 : i32
    %dma_start3A_449 = arith.constant 0 : i32
    %dma_start3A_450 = tpu.memref_slice %arg2[%dma_start3A_448, %dma_start3A_449] : memref<4096x64xf32, #tpu.memory_space<hbm>> -> memref<4096x64xf32, #tpu.memory_space<hbm>>
    tpu.enqueue_indirect_dma source(%dma_start3A_450 : memref<4096x64xf32, #tpu.memory_space<hbm>>) target(%arg7 : memref<120x64xf32, #tpu.memory_space<vmem>>) offsets(%dma_start3A_447 : memref<120xi32, #tpu.memory_space<vmem>>) semaphore(%arg9 : memref<!tpu.dma_semaphore, #tpu.memory_space<semaphore_mem>>)
    %dma_wait3A_451 = arith.constant 2640 : i32
    %dma_wait3A_452 = tpu.memref_slice %arg5[%dma_wait3A_451] : memref<3000xi32, #tpu.memory_space<vmem>> -> memref<120xi32, #tpu.memory_space<vmem>>
    %dma_wait3A_453 = arith.constant 0 : i32
    %dma_wait3A_454 = arith.constant 0 : i32
    %dma_wait3A_455 = tpu.memref_slice %arg2[%dma_wait3A_453, %dma_wait3A_454] : memref<4096x64xf32, #tpu.memory_space<hbm>> -> memref<4096x64xf32, #tpu.memory_space<hbm>>
    tpu.wait_indirect_dma semaphore(%arg8 : memref<!tpu.dma_semaphore, #tpu.memory_space<semaphore_mem>>) src(%dma_wait3A_455 : memref<4096x64xf32, #tpu.memory_space<hbm>>) dst(%arg6 : memref<120x64xf32, #tpu.memory_space<vmem>>)
    %add3A_456 = arith.constant 2640 : i32
    %add3A_457 = arith.addi %mul3A_2, %add3A_456 : i32
    %dma_start3A_458 = arith.constant 0 : i32
    %dma_start3A_459 = tpu.memref_slice %arg4[%add3A_457, %dma_start3A_458] : memref<96000x64xf32, #tpu.memory_space<hbm>> -> memref<120x64xf32, #tpu.memory_space<hbm>>
    %dma_start3A_460 = arith.constant 0 : i32
    %dma_start3A_461 = tpu.memref_slice %arg4[%add3A_457, %dma_start3A_460] : memref<96000x64xf32, #tpu.memory_space<hbm>> -> memref<120x64xf32, #tpu.memory_space<hbm>>
    tpu.enqueue_dma source(%arg6 : memref<120x64xf32, #tpu.memory_space<vmem>>) target(%dma_start3A_461 : memref<120x64xf32, #tpu.memory_space<hbm>>) target_semaphore(%arg10 : memref<!tpu.dma_semaphore, #tpu.memory_space<semaphore_mem>>)
    %dma_wait3A_462 = arith.constant 0 : i32
    %dma_wait3A_463 = tpu.memref_slice %arg4[%add3A_457, %dma_wait3A_462] : memref<96000x64xf32, #tpu.memory_space<hbm>> -> memref<120x64xf32, #tpu.memory_space<hbm>>
    %dma_wait3A_464 = arith.constant 0 : i32
    %dma_wait3A_465 = tpu.memref_slice %arg4[%add3A_457, %dma_wait3A_464] : memref<96000x64xf32, #tpu.memory_space<hbm>> -> memref<120x64xf32, #tpu.memory_space<hbm>>
    tpu.wait_dma2 semaphore(%arg10 : memref<!tpu.dma_semaphore, #tpu.memory_space<semaphore_mem>>) src(%arg6 : memref<120x64xf32, #tpu.memory_space<vmem>>) dst(%dma_wait3A_465 : memref<120x64xf32, #tpu.memory_space<hbm>>)
    %dma_start3A_466 = arith.constant 2880 : i32
    %dma_start3A_467 = tpu.memref_slice %arg5[%dma_start3A_466] : memref<3000xi32, #tpu.memory_space<vmem>> -> memref<120xi32, #tpu.memory_space<vmem>>
    %dma_start3A_468 = arith.constant 0 : i32
    %dma_start3A_469 = arith.constant 0 : i32
    %dma_start3A_470 = tpu.memref_slice %arg2[%dma_start3A_468, %dma_start3A_469] : memref<4096x64xf32, #tpu.memory_space<hbm>> -> memref<4096x64xf32, #tpu.memory_space<hbm>>
    tpu.enqueue_indirect_dma source(%dma_start3A_470 : memref<4096x64xf32, #tpu.memory_space<hbm>>) target(%arg6 : memref<120x64xf32, #tpu.memory_space<vmem>>) offsets(%dma_start3A_467 : memref<120xi32, #tpu.memory_space<vmem>>) semaphore(%arg8 : memref<!tpu.dma_semaphore, #tpu.memory_space<semaphore_mem>>)
    %dma_wait3A_471 = arith.constant 2760 : i32
    %dma_wait3A_472 = tpu.memref_slice %arg5[%dma_wait3A_471] : memref<3000xi32, #tpu.memory_space<vmem>> -> memref<120xi32, #tpu.memory_space<vmem>>
    %dma_wait3A_473 = arith.constant 0 : i32
    %dma_wait3A_474 = arith.constant 0 : i32
    %dma_wait3A_475 = tpu.memref_slice %arg2[%dma_wait3A_473, %dma_wait3A_474] : memref<4096x64xf32, #tpu.memory_space<hbm>> -> memref<4096x64xf32, #tpu.memory_space<hbm>>
    tpu.wait_indirect_dma semaphore(%arg9 : memref<!tpu.dma_semaphore, #tpu.memory_space<semaphore_mem>>) src(%dma_wait3A_475 : memref<4096x64xf32, #tpu.memory_space<hbm>>) dst(%arg7 : memref<120x64xf32, #tpu.memory_space<vmem>>)
    %add3A_476 = arith.constant 2760 : i32
    %add3A_477 = arith.addi %mul3A_2, %add3A_476 : i32
    %dma_start3A_478 = arith.constant 0 : i32
    %dma_start3A_479 = tpu.memref_slice %arg4[%add3A_477, %dma_start3A_478] : memref<96000x64xf32, #tpu.memory_space<hbm>> -> memref<120x64xf32, #tpu.memory_space<hbm>>
    %dma_start3A_480 = arith.constant 0 : i32
    %dma_start3A_481 = tpu.memref_slice %arg4[%add3A_477, %dma_start3A_480] : memref<96000x64xf32, #tpu.memory_space<hbm>> -> memref<120x64xf32, #tpu.memory_space<hbm>>
    tpu.enqueue_dma source(%arg7 : memref<120x64xf32, #tpu.memory_space<vmem>>) target(%dma_start3A_481 : memref<120x64xf32, #tpu.memory_space<hbm>>) target_semaphore(%arg11 : memref<!tpu.dma_semaphore, #tpu.memory_space<semaphore_mem>>)
    %dma_wait3A_482 = arith.constant 0 : i32
    %dma_wait3A_483 = tpu.memref_slice %arg4[%add3A_477, %dma_wait3A_482] : memref<96000x64xf32, #tpu.memory_space<hbm>> -> memref<120x64xf32, #tpu.memory_space<hbm>>
    %dma_wait3A_484 = arith.constant 0 : i32
    %dma_wait3A_485 = tpu.memref_slice %arg4[%add3A_477, %dma_wait3A_484] : memref<96000x64xf32, #tpu.memory_space<hbm>> -> memref<120x64xf32, #tpu.memory_space<hbm>>
    tpu.wait_dma2 semaphore(%arg11 : memref<!tpu.dma_semaphore, #tpu.memory_space<semaphore_mem>>) src(%arg7 : memref<120x64xf32, #tpu.memory_space<vmem>>) dst(%dma_wait3A_485 : memref<120x64xf32, #tpu.memory_space<hbm>>)
    %dma_wait3A_486 = arith.constant 2880 : i32
    %dma_wait3A_487 = tpu.memref_slice %arg5[%dma_wait3A_486] : memref<3000xi32, #tpu.memory_space<vmem>> -> memref<120xi32, #tpu.memory_space<vmem>>
    %dma_wait3A_488 = arith.constant 0 : i32
    %dma_wait3A_489 = arith.constant 0 : i32
    %dma_wait3A_490 = tpu.memref_slice %arg2[%dma_wait3A_488, %dma_wait3A_489] : memref<4096x64xf32, #tpu.memory_space<hbm>> -> memref<4096x64xf32, #tpu.memory_space<hbm>>
    tpu.wait_indirect_dma semaphore(%arg8 : memref<!tpu.dma_semaphore, #tpu.memory_space<semaphore_mem>>) src(%dma_wait3A_490 : memref<4096x64xf32, #tpu.memory_space<hbm>>) dst(%arg6 : memref<120x64xf32, #tpu.memory_space<vmem>>)
    %add3A_491 = arith.constant 2880 : i32
    %add3A_492 = arith.addi %mul3A_2, %add3A_491 : i32
    %dma_start3A_493 = arith.constant 0 : i32
    %dma_start3A_494 = tpu.memref_slice %arg4[%add3A_492, %dma_start3A_493] : memref<96000x64xf32, #tpu.memory_space<hbm>> -> memref<120x64xf32, #tpu.memory_space<hbm>>
    %dma_start3A_495 = arith.constant 0 : i32
    %dma_start3A_496 = tpu.memref_slice %arg4[%add3A_492, %dma_start3A_495] : memref<96000x64xf32, #tpu.memory_space<hbm>> -> memref<120x64xf32, #tpu.memory_space<hbm>>
    tpu.enqueue_dma source(%arg6 : memref<120x64xf32, #tpu.memory_space<vmem>>) target(%dma_start3A_496 : memref<120x64xf32, #tpu.memory_space<hbm>>) target_semaphore(%arg10 : memref<!tpu.dma_semaphore, #tpu.memory_space<semaphore_mem>>)
    %dma_wait3A_497 = arith.constant 0 : i32
    %dma_wait3A_498 = tpu.memref_slice %arg4[%add3A_492, %dma_wait3A_497] : memref<96000x64xf32, #tpu.memory_space<hbm>> -> memref<120x64xf32, #tpu.memory_space<hbm>>
    %dma_wait3A_499 = arith.constant 0 : i32
    %dma_wait3A_500 = tpu.memref_slice %arg4[%add3A_492, %dma_wait3A_499] : memref<96000x64xf32, #tpu.memory_space<hbm>> -> memref<120x64xf32, #tpu.memory_space<hbm>>
    tpu.wait_dma2 semaphore(%arg10 : memref<!tpu.dma_semaphore, #tpu.memory_space<semaphore_mem>>) src(%arg6 : memref<120x64xf32, #tpu.memory_space<vmem>>) dst(%dma_wait3A_500 : memref<120x64xf32, #tpu.memory_space<hbm>>)
    return
  }
}

module attributes {stable_mosaic.version = 14 : i64} {
  func.func @_tc_body(%arg0: i32, %arg1: memref<1x1500x512xf32, #tpu.memory_space<vmem>>, %arg2: memref<8x64x512xf32, #tpu.memory_space<vmem>>, %arg3: memref<1x1500x8xf32, #tpu.memory_space<vmem>>, %arg4: memref<8x512xf32, #tpu.memory_space<vmem>>, %arg5: memref<1x1500x8xi32, #tpu.memory_space<vmem>>, %arg6: memref<1x1xf32, #tpu.memory_space<vmem>>) attributes {dimension_semantics = [#tpu.dimension_semantics<arbitrary>], iteration_bounds = array<i64: 8>, scalar_prefetch = 0 : i64, scratch_operands = 0 : i64, tpu.core_type = #tpu.core_type<tc>, window_params = [{transform_indices = @transform_0, window_bounds = array<i64: 1, 1500, 512>}, {pipeline_mode = #tpu.pipeline_mode<synchronous>, transform_indices = @transform_1, window_bounds = array<i64: 8, 64, 512>}, {transform_indices = @transform_2, window_bounds = array<i64: 1, 1500, 8>}, {pipeline_mode = #tpu.pipeline_mode<synchronous>, transform_indices = @transform_3, window_bounds = array<i64: 8, 512>}, {transform_indices = @transform_4, window_bounds = array<i64: 1, 1500, 8>}, {pipeline_mode = #tpu.pipeline_mode<synchronous>, transform_indices = @transform_5, window_bounds = array<i64: 1, 1>}]} {
    %iota3A = tpu.iota {dimensions = array<i32: 1>} : vector<1500x512xi32>
    %convert_element_type3A = arith.sitofp %iota3A : vector<1500x512xi32> to vector<1500x512xf32>
    %get3A = arith.constant 0 : index
    %get3A_0 = arith.constant 0 : index
    %get3A_1 = arith.constant 0 : index
    %get3A_2 = vector.load %arg1[%get3A, %get3A_0, %get3A_1] : memref<1x1500x512xf32, #tpu.memory_space<vmem>>, vector<1x1500x64xf32>
    %get3A_3 = vector.shape_cast %get3A_2 : vector<1x1500x64xf32> to vector<1500x64xf32>
    %get3A_4 = arith.constant 0 : index
    %get3A_5 = arith.constant 0 : index
    %get3A_6 = arith.constant 0 : index
    %get3A_7 = vector.load %arg2[%get3A_4, %get3A_5, %get3A_6] : memref<8x64x512xf32, #tpu.memory_space<vmem>>, vector<1x64x512xf32>
    %get3A_8 = vector.shape_cast %get3A_7 : vector<1x64x512xf32> to vector<64x512xf32>
    %dot_general3A = arith.constant dense<0.000000e+00> : vector<1500x512xf32>
    %dot_general3A_9 = tpu.matmul %get3A_3, %get3A_8, %dot_general3A {dimension_numbers = #tpu.dot_dimension_numbers<[1], [0], [0], [1], [0, 0, 1, 1], [], []>, transpose_lhs_hint = false} : vector<1500x64xf32>, vector<64x512xf32>, vector<1500x512xf32> -> vector<1500x512xf32>
    %get3A_10 = arith.constant 0 : index
    %get3A_11 = arith.constant 0 : index
    %get3A_12 = arith.constant 0 : index
    %get3A_13 = vector.load %arg3[%get3A_10, %get3A_11, %get3A_12] : memref<1x1500x8xf32, #tpu.memory_space<vmem>>, vector<1x1500x1xf32>
    %get3A_14 = vector.shape_cast %get3A_13 : vector<1x1500x1xf32> to vector<1500x1xf32>
    %get3A_15 = arith.constant 0 : index
    %get3A_16 = arith.constant 0 : index
    %get3A_17 = vector.load %arg4[%get3A_15, %get3A_16] : memref<8x512xf32, #tpu.memory_space<vmem>>, vector<1x512xf32>
    %add3A = vector.broadcast %get3A_14 : vector<1500x1xf32> to vector<1500x512xf32>
    %add3A_18 = vector.broadcast %get3A_17 : vector<1x512xf32> to vector<1500x512xf32>
    %add3A_19 = arith.addf %add3A, %add3A_18 : vector<1500x512xf32>
    %mul3A = arith.constant 2.000000e+00 : f32
    %mul3A_20 = vector.broadcast %mul3A : f32 to vector<1500x512xf32>
    %mul3A_21 = arith.mulf %mul3A_20, %dot_general3A_9 : vector<1500x512xf32>
    %sub3A = arith.subf %add3A_19, %mul3A_21 : vector<1500x512xf32>
    %reduce_min3A = arith.constant dense<0x7F800000> : vector<1500xf32>
    %reduce_min3A_22 = vector.multi_reduction <minimumf>, %sub3A, %reduce_min3A [1] : vector<1500x512xf32> to vector<1500xf32>
    %broadcast_in_dim3A = vector.shape_cast %reduce_min3A_22 : vector<1500xf32> to vector<1500x1xf32>
    %eq3A = vector.broadcast %broadcast_in_dim3A : vector<1500x1xf32> to vector<1500x512xf32>
    %eq3A_23 = arith.cmpf oeq, %sub3A, %eq3A : vector<1500x512xf32>
    %jit3A = arith.constant 5.120000e+02 : f32
    %broadcast_in_dim3A_24 = vector.broadcast %jit3A : f32 to vector<1500x512xf32>
    %select_n3A = arith.select %eq3A_23, %convert_element_type3A, %broadcast_in_dim3A_24 : vector<1500x512xi1>, vector<1500x512xf32>
    %reduce_min3A_25 = arith.constant dense<0x7F800000> : vector<1500xf32>
    %reduce_min3A_26 = vector.multi_reduction <minimumf>, %select_n3A, %reduce_min3A_25 [1] : vector<1500x512xf32> to vector<1500xf32>
    %convert_element_type3A_27 = arith.fptosi %reduce_min3A_26 : vector<1500xf32> to vector<1500xi32>
    %add3A_28 = arith.constant 0 : i32
    %add3A_29 = vector.broadcast %add3A_28 : i32 to vector<1500xi32>
    %add3A_30 = arith.addi %convert_element_type3A_27, %add3A_29 : vector<1500xi32>
    %broadcast_in_dim3A_31 = vector.shape_cast %add3A_30 : vector<1500xi32> to vector<1500x1xi32>
    %swap3A = arith.constant 0 : index
    %swap3A_32 = arith.constant 0 : index
    %swap3A_33 = arith.constant 0 : index
    %swap3A_34 = vector.load %arg5[%swap3A, %swap3A_32, %swap3A_33] : memref<1x1500x8xi32, #tpu.memory_space<vmem>>, vector<1x1500x1xi32>
    %swap3A_35 = vector.shape_cast %swap3A_34 : vector<1x1500x1xi32> to vector<1500x1xi32>
    %swap3A_36 = vector.shape_cast %broadcast_in_dim3A_31 : vector<1500x1xi32> to vector<1x1500x1xi32>
    tpu.vector_store %arg5[%swap3A, %swap3A_32, %swap3A_33], %swap3A_36 {strides = array<i32>} : memref<1x1500x8xi32, #tpu.memory_space<vmem>>, vector<1x1500x1xi32>,
    %reduce_sum3A = vector.shape_cast %reduce_min3A_22 : vector<1500xf32> to vector<1x1500xf32>
    %reduce_sum3A_37 = arith.constant dense<0.000000e+00> : vector<1xf32>
    %reduce_sum3A_38 = vector.multi_reduction <add>, %reduce_sum3A, %reduce_sum3A_37 [1] : vector<1x1500xf32> to vector<1xf32>
    %reduce_sum3A_39 = vector.shape_cast %reduce_sum3A_38 : vector<1xf32> to vector<1x1xf32>
    %reduce_sum3A_40 = vector.extract %reduce_sum3A_39[0, 0] : f32 from vector<1x1xf32>
    %add3A_41 = arith.constant 0.000000e+00 : f32
    %add3A_42 = arith.addf %add3A_41, %reduce_sum3A_40 : f32
    %get3A_43 = arith.constant 0 : index
    %get3A_44 = arith.constant 0 : index
    %get3A_45 = arith.constant 64 : index
    %get3A_46 = vector.load %arg1[%get3A_43, %get3A_44, %get3A_45] : memref<1x1500x512xf32, #tpu.memory_space<vmem>>, vector<1x1500x64xf32>
    %get3A_47 = vector.shape_cast %get3A_46 : vector<1x1500x64xf32> to vector<1500x64xf32>
    %get3A_48 = arith.constant 1 : index
    %get3A_49 = arith.constant 0 : index
    %get3A_50 = arith.constant 0 : index
    %get3A_51 = vector.load %arg2[%get3A_48, %get3A_49, %get3A_50] : memref<8x64x512xf32, #tpu.memory_space<vmem>>, vector<1x64x512xf32>
    %get3A_52 = vector.shape_cast %get3A_51 : vector<1x64x512xf32> to vector<64x512xf32>
    %dot_general3A_53 = arith.constant dense<0.000000e+00> : vector<1500x512xf32>
    %dot_general3A_54 = tpu.matmul %get3A_47, %get3A_52, %dot_general3A_53 {dimension_numbers = #tpu.dot_dimension_numbers<[1], [0], [0], [1], [0, 0, 1, 1], [], []>, transpose_lhs_hint = false} : vector<1500x64xf32>, vector<64x512xf32>, vector<1500x512xf32> -> vector<1500x512xf32>
    %get3A_55 = arith.constant 0 : index
    %get3A_56 = arith.constant 0 : index
    %get3A_57 = arith.constant 1 : index
    %get3A_58 = vector.load %arg3[%get3A_55, %get3A_56, %get3A_57] : memref<1x1500x8xf32, #tpu.memory_space<vmem>>, vector<1x1500x1xf32>
    %get3A_59 = vector.shape_cast %get3A_58 : vector<1x1500x1xf32> to vector<1500x1xf32>
    %get3A_60 = arith.constant 1 : index
    %get3A_61 = arith.constant 0 : index
    %get3A_62 = vector.load %arg4[%get3A_60, %get3A_61] : memref<8x512xf32, #tpu.memory_space<vmem>>, vector<1x512xf32>
    %add3A_63 = vector.broadcast %get3A_59 : vector<1500x1xf32> to vector<1500x512xf32>
    %add3A_64 = vector.broadcast %get3A_62 : vector<1x512xf32> to vector<1500x512xf32>
    %add3A_65 = arith.addf %add3A_63, %add3A_64 : vector<1500x512xf32>
    %mul3A_66 = arith.constant 2.000000e+00 : f32
    %mul3A_67 = vector.broadcast %mul3A_66 : f32 to vector<1500x512xf32>
    %mul3A_68 = arith.mulf %mul3A_67, %dot_general3A_54 : vector<1500x512xf32>
    %sub3A_69 = arith.subf %add3A_65, %mul3A_68 : vector<1500x512xf32>
    %reduce_min3A_70 = arith.constant dense<0x7F800000> : vector<1500xf32>
    %reduce_min3A_71 = vector.multi_reduction <minimumf>, %sub3A_69, %reduce_min3A_70 [1] : vector<1500x512xf32> to vector<1500xf32>
    %broadcast_in_dim3A_72 = vector.shape_cast %reduce_min3A_71 : vector<1500xf32> to vector<1500x1xf32>
    %eq3A_73 = vector.broadcast %broadcast_in_dim3A_72 : vector<1500x1xf32> to vector<1500x512xf32>
    %eq3A_74 = arith.cmpf oeq, %sub3A_69, %eq3A_73 : vector<1500x512xf32>
    %jit3A_75 = arith.constant 5.120000e+02 : f32
    %broadcast_in_dim3A_76 = vector.broadcast %jit3A_75 : f32 to vector<1500x512xf32>
    %select_n3A_77 = arith.select %eq3A_74, %convert_element_type3A, %broadcast_in_dim3A_76 : vector<1500x512xi1>, vector<1500x512xf32>
    %reduce_min3A_78 = arith.constant dense<0x7F800000> : vector<1500xf32>
    %reduce_min3A_79 = vector.multi_reduction <minimumf>, %select_n3A_77, %reduce_min3A_78 [1] : vector<1500x512xf32> to vector<1500xf32>
    %convert_element_type3A_80 = arith.fptosi %reduce_min3A_79 : vector<1500xf32> to vector<1500xi32>
    %add3A_81 = arith.constant 512 : i32
    %add3A_82 = vector.broadcast %add3A_81 : i32 to vector<1500xi32>
    %add3A_83 = arith.addi %convert_element_type3A_80, %add3A_82 : vector<1500xi32>
    %broadcast_in_dim3A_84 = vector.shape_cast %add3A_83 : vector<1500xi32> to vector<1500x1xi32>
    %swap3A_85 = arith.constant 0 : index
    %swap3A_86 = arith.constant 0 : index
    %swap3A_87 = arith.constant 1 : index
    %swap3A_88 = vector.load %arg5[%swap3A_85, %swap3A_86, %swap3A_87] : memref<1x1500x8xi32, #tpu.memory_space<vmem>>, vector<1x1500x1xi32>
    %swap3A_89 = vector.shape_cast %swap3A_88 : vector<1x1500x1xi32> to vector<1500x1xi32>
    %swap3A_90 = vector.shape_cast %broadcast_in_dim3A_84 : vector<1500x1xi32> to vector<1x1500x1xi32>
    tpu.vector_store %arg5[%swap3A_85, %swap3A_86, %swap3A_87], %swap3A_90 {strides = array<i32>} : memref<1x1500x8xi32, #tpu.memory_space<vmem>>, vector<1x1500x1xi32>,
    %reduce_sum3A_91 = vector.shape_cast %reduce_min3A_71 : vector<1500xf32> to vector<1x1500xf32>
    %reduce_sum3A_92 = arith.constant dense<0.000000e+00> : vector<1xf32>
    %reduce_sum3A_93 = vector.multi_reduction <add>, %reduce_sum3A_91, %reduce_sum3A_92 [1] : vector<1x1500xf32> to vector<1xf32>
    %reduce_sum3A_94 = vector.shape_cast %reduce_sum3A_93 : vector<1xf32> to vector<1x1xf32>
    %reduce_sum3A_95 = vector.extract %reduce_sum3A_94[0, 0] : f32 from vector<1x1xf32>
    %add3A_96 = arith.addf %add3A_42, %reduce_sum3A_95 : f32
    %get3A_97 = arith.constant 0 : index
    %get3A_98 = arith.constant 0 : index
    %get3A_99 = arith.constant 128 : index
    %get3A_100 = vector.load %arg1[%get3A_97, %get3A_98, %get3A_99] : memref<1x1500x512xf32, #tpu.memory_space<vmem>>, vector<1x1500x64xf32>
    %get3A_101 = vector.shape_cast %get3A_100 : vector<1x1500x64xf32> to vector<1500x64xf32>
    %get3A_102 = arith.constant 2 : index
    %get3A_103 = arith.constant 0 : index
    %get3A_104 = arith.constant 0 : index
    %get3A_105 = vector.load %arg2[%get3A_102, %get3A_103, %get3A_104] : memref<8x64x512xf32, #tpu.memory_space<vmem>>, vector<1x64x512xf32>
    %get3A_106 = vector.shape_cast %get3A_105 : vector<1x64x512xf32> to vector<64x512xf32>
    %dot_general3A_107 = arith.constant dense<0.000000e+00> : vector<1500x512xf32>
    %dot_general3A_108 = tpu.matmul %get3A_101, %get3A_106, %dot_general3A_107 {dimension_numbers = #tpu.dot_dimension_numbers<[1], [0], [0], [1], [0, 0, 1, 1], [], []>, transpose_lhs_hint = false} : vector<1500x64xf32>, vector<64x512xf32>, vector<1500x512xf32> -> vector<1500x512xf32>
    %get3A_109 = arith.constant 0 : index
    %get3A_110 = arith.constant 0 : index
    %get3A_111 = arith.constant 2 : index
    %get3A_112 = vector.load %arg3[%get3A_109, %get3A_110, %get3A_111] : memref<1x1500x8xf32, #tpu.memory_space<vmem>>, vector<1x1500x1xf32>
    %get3A_113 = vector.shape_cast %get3A_112 : vector<1x1500x1xf32> to vector<1500x1xf32>
    %get3A_114 = arith.constant 2 : index
    %get3A_115 = arith.constant 0 : index
    %get3A_116 = vector.load %arg4[%get3A_114, %get3A_115] : memref<8x512xf32, #tpu.memory_space<vmem>>, vector<1x512xf32>
    %add3A_117 = vector.broadcast %get3A_113 : vector<1500x1xf32> to vector<1500x512xf32>
    %add3A_118 = vector.broadcast %get3A_116 : vector<1x512xf32> to vector<1500x512xf32>
    %add3A_119 = arith.addf %add3A_117, %add3A_118 : vector<1500x512xf32>
    %mul3A_120 = arith.constant 2.000000e+00 : f32
    %mul3A_121 = vector.broadcast %mul3A_120 : f32 to vector<1500x512xf32>
    %mul3A_122 = arith.mulf %mul3A_121, %dot_general3A_108 : vector<1500x512xf32>
    %sub3A_123 = arith.subf %add3A_119, %mul3A_122 : vector<1500x512xf32>
    %reduce_min3A_124 = arith.constant dense<0x7F800000> : vector<1500xf32>
    %reduce_min3A_125 = vector.multi_reduction <minimumf>, %sub3A_123, %reduce_min3A_124 [1] : vector<1500x512xf32> to vector<1500xf32>
    %broadcast_in_dim3A_126 = vector.shape_cast %reduce_min3A_125 : vector<1500xf32> to vector<1500x1xf32>
    %eq3A_127 = vector.broadcast %broadcast_in_dim3A_126 : vector<1500x1xf32> to vector<1500x512xf32>
    %eq3A_128 = arith.cmpf oeq, %sub3A_123, %eq3A_127 : vector<1500x512xf32>
    %jit3A_129 = arith.constant 5.120000e+02 : f32
    %broadcast_in_dim3A_130 = vector.broadcast %jit3A_129 : f32 to vector<1500x512xf32>
    %select_n3A_131 = arith.select %eq3A_128, %convert_element_type3A, %broadcast_in_dim3A_130 : vector<1500x512xi1>, vector<1500x512xf32>
    %reduce_min3A_132 = arith.constant dense<0x7F800000> : vector<1500xf32>
    %reduce_min3A_133 = vector.multi_reduction <minimumf>, %select_n3A_131, %reduce_min3A_132 [1] : vector<1500x512xf32> to vector<1500xf32>
    %convert_element_type3A_134 = arith.fptosi %reduce_min3A_133 : vector<1500xf32> to vector<1500xi32>
    %add3A_135 = arith.constant 1024 : i32
    %add3A_136 = vector.broadcast %add3A_135 : i32 to vector<1500xi32>
    %add3A_137 = arith.addi %convert_element_type3A_134, %add3A_136 : vector<1500xi32>
    %broadcast_in_dim3A_138 = vector.shape_cast %add3A_137 : vector<1500xi32> to vector<1500x1xi32>
    %swap3A_139 = arith.constant 0 : index
    %swap3A_140 = arith.constant 0 : index
    %swap3A_141 = arith.constant 2 : index
    %swap3A_142 = vector.load %arg5[%swap3A_139, %swap3A_140, %swap3A_141] : memref<1x1500x8xi32, #tpu.memory_space<vmem>>, vector<1x1500x1xi32>
    %swap3A_143 = vector.shape_cast %swap3A_142 : vector<1x1500x1xi32> to vector<1500x1xi32>
    %swap3A_144 = vector.shape_cast %broadcast_in_dim3A_138 : vector<1500x1xi32> to vector<1x1500x1xi32>
    tpu.vector_store %arg5[%swap3A_139, %swap3A_140, %swap3A_141], %swap3A_144 {strides = array<i32>} : memref<1x1500x8xi32, #tpu.memory_space<vmem>>, vector<1x1500x1xi32>,
    %reduce_sum3A_145 = vector.shape_cast %reduce_min3A_125 : vector<1500xf32> to vector<1x1500xf32>
    %reduce_sum3A_146 = arith.constant dense<0.000000e+00> : vector<1xf32>
    %reduce_sum3A_147 = vector.multi_reduction <add>, %reduce_sum3A_145, %reduce_sum3A_146 [1] : vector<1x1500xf32> to vector<1xf32>
    %reduce_sum3A_148 = vector.shape_cast %reduce_sum3A_147 : vector<1xf32> to vector<1x1xf32>
    %reduce_sum3A_149 = vector.extract %reduce_sum3A_148[0, 0] : f32 from vector<1x1xf32>
    %add3A_150 = arith.addf %add3A_96, %reduce_sum3A_149 : f32
    %get3A_151 = arith.constant 0 : index
    %get3A_152 = arith.constant 0 : index
    %get3A_153 = arith.constant 192 : index
    %get3A_154 = vector.load %arg1[%get3A_151, %get3A_152, %get3A_153] : memref<1x1500x512xf32, #tpu.memory_space<vmem>>, vector<1x1500x64xf32>
    %get3A_155 = vector.shape_cast %get3A_154 : vector<1x1500x64xf32> to vector<1500x64xf32>
    %get3A_156 = arith.constant 3 : index
    %get3A_157 = arith.constant 0 : index
    %get3A_158 = arith.constant 0 : index
    %get3A_159 = vector.load %arg2[%get3A_156, %get3A_157, %get3A_158] : memref<8x64x512xf32, #tpu.memory_space<vmem>>, vector<1x64x512xf32>
    %get3A_160 = vector.shape_cast %get3A_159 : vector<1x64x512xf32> to vector<64x512xf32>
    %dot_general3A_161 = arith.constant dense<0.000000e+00> : vector<1500x512xf32>
    %dot_general3A_162 = tpu.matmul %get3A_155, %get3A_160, %dot_general3A_161 {dimension_numbers = #tpu.dot_dimension_numbers<[1], [0], [0], [1], [0, 0, 1, 1], [], []>, transpose_lhs_hint = false} : vector<1500x64xf32>, vector<64x512xf32>, vector<1500x512xf32> -> vector<1500x512xf32>
    %get3A_163 = arith.constant 0 : index
    %get3A_164 = arith.constant 0 : index
    %get3A_165 = arith.constant 3 : index
    %get3A_166 = vector.load %arg3[%get3A_163, %get3A_164, %get3A_165] : memref<1x1500x8xf32, #tpu.memory_space<vmem>>, vector<1x1500x1xf32>
    %get3A_167 = vector.shape_cast %get3A_166 : vector<1x1500x1xf32> to vector<1500x1xf32>
    %get3A_168 = arith.constant 3 : index
    %get3A_169 = arith.constant 0 : index
    %get3A_170 = vector.load %arg4[%get3A_168, %get3A_169] : memref<8x512xf32, #tpu.memory_space<vmem>>, vector<1x512xf32>
    %add3A_171 = vector.broadcast %get3A_167 : vector<1500x1xf32> to vector<1500x512xf32>
    %add3A_172 = vector.broadcast %get3A_170 : vector<1x512xf32> to vector<1500x512xf32>
    %add3A_173 = arith.addf %add3A_171, %add3A_172 : vector<1500x512xf32>
    %mul3A_174 = arith.constant 2.000000e+00 : f32
    %mul3A_175 = vector.broadcast %mul3A_174 : f32 to vector<1500x512xf32>
    %mul3A_176 = arith.mulf %mul3A_175, %dot_general3A_162 : vector<1500x512xf32>
    %sub3A_177 = arith.subf %add3A_173, %mul3A_176 : vector<1500x512xf32>
    %reduce_min3A_178 = arith.constant dense<0x7F800000> : vector<1500xf32>
    %reduce_min3A_179 = vector.multi_reduction <minimumf>, %sub3A_177, %reduce_min3A_178 [1] : vector<1500x512xf32> to vector<1500xf32>
    %broadcast_in_dim3A_180 = vector.shape_cast %reduce_min3A_179 : vector<1500xf32> to vector<1500x1xf32>
    %eq3A_181 = vector.broadcast %broadcast_in_dim3A_180 : vector<1500x1xf32> to vector<1500x512xf32>
    %eq3A_182 = arith.cmpf oeq, %sub3A_177, %eq3A_181 : vector<1500x512xf32>
    %jit3A_183 = arith.constant 5.120000e+02 : f32
    %broadcast_in_dim3A_184 = vector.broadcast %jit3A_183 : f32 to vector<1500x512xf32>
    %select_n3A_185 = arith.select %eq3A_182, %convert_element_type3A, %broadcast_in_dim3A_184 : vector<1500x512xi1>, vector<1500x512xf32>
    %reduce_min3A_186 = arith.constant dense<0x7F800000> : vector<1500xf32>
    %reduce_min3A_187 = vector.multi_reduction <minimumf>, %select_n3A_185, %reduce_min3A_186 [1] : vector<1500x512xf32> to vector<1500xf32>
    %convert_element_type3A_188 = arith.fptosi %reduce_min3A_187 : vector<1500xf32> to vector<1500xi32>
    %add3A_189 = arith.constant 1536 : i32
    %add3A_190 = vector.broadcast %add3A_189 : i32 to vector<1500xi32>
    %add3A_191 = arith.addi %convert_element_type3A_188, %add3A_190 : vector<1500xi32>
    %broadcast_in_dim3A_192 = vector.shape_cast %add3A_191 : vector<1500xi32> to vector<1500x1xi32>
    %swap3A_193 = arith.constant 0 : index
    %swap3A_194 = arith.constant 0 : index
    %swap3A_195 = arith.constant 3 : index
    %swap3A_196 = vector.load %arg5[%swap3A_193, %swap3A_194, %swap3A_195] : memref<1x1500x8xi32, #tpu.memory_space<vmem>>, vector<1x1500x1xi32>
    %swap3A_197 = vector.shape_cast %swap3A_196 : vector<1x1500x1xi32> to vector<1500x1xi32>
    %swap3A_198 = vector.shape_cast %broadcast_in_dim3A_192 : vector<1500x1xi32> to vector<1x1500x1xi32>
    tpu.vector_store %arg5[%swap3A_193, %swap3A_194, %swap3A_195], %swap3A_198 {strides = array<i32>} : memref<1x1500x8xi32, #tpu.memory_space<vmem>>, vector<1x1500x1xi32>,
    %reduce_sum3A_199 = vector.shape_cast %reduce_min3A_179 : vector<1500xf32> to vector<1x1500xf32>
    %reduce_sum3A_200 = arith.constant dense<0.000000e+00> : vector<1xf32>
    %reduce_sum3A_201 = vector.multi_reduction <add>, %reduce_sum3A_199, %reduce_sum3A_200 [1] : vector<1x1500xf32> to vector<1xf32>
    %reduce_sum3A_202 = vector.shape_cast %reduce_sum3A_201 : vector<1xf32> to vector<1x1xf32>
    %reduce_sum3A_203 = vector.extract %reduce_sum3A_202[0, 0] : f32 from vector<1x1xf32>
    %add3A_204 = arith.addf %add3A_150, %reduce_sum3A_203 : f32
    %get3A_205 = arith.constant 0 : index
    %get3A_206 = arith.constant 0 : index
    %get3A_207 = arith.constant 256 : index
    %get3A_208 = vector.load %arg1[%get3A_205, %get3A_206, %get3A_207] : memref<1x1500x512xf32, #tpu.memory_space<vmem>>, vector<1x1500x64xf32>
    %get3A_209 = vector.shape_cast %get3A_208 : vector<1x1500x64xf32> to vector<1500x64xf32>
    %get3A_210 = arith.constant 4 : index
    %get3A_211 = arith.constant 0 : index
    %get3A_212 = arith.constant 0 : index
    %get3A_213 = vector.load %arg2[%get3A_210, %get3A_211, %get3A_212] : memref<8x64x512xf32, #tpu.memory_space<vmem>>, vector<1x64x512xf32>
    %get3A_214 = vector.shape_cast %get3A_213 : vector<1x64x512xf32> to vector<64x512xf32>
    %dot_general3A_215 = arith.constant dense<0.000000e+00> : vector<1500x512xf32>
    %dot_general3A_216 = tpu.matmul %get3A_209, %get3A_214, %dot_general3A_215 {dimension_numbers = #tpu.dot_dimension_numbers<[1], [0], [0], [1], [0, 0, 1, 1], [], []>, transpose_lhs_hint = false} : vector<1500x64xf32>, vector<64x512xf32>, vector<1500x512xf32> -> vector<1500x512xf32>
    %get3A_217 = arith.constant 0 : index
    %get3A_218 = arith.constant 0 : index
    %get3A_219 = arith.constant 4 : index
    %get3A_220 = vector.load %arg3[%get3A_217, %get3A_218, %get3A_219] : memref<1x1500x8xf32, #tpu.memory_space<vmem>>, vector<1x1500x1xf32>
    %get3A_221 = vector.shape_cast %get3A_220 : vector<1x1500x1xf32> to vector<1500x1xf32>
    %get3A_222 = arith.constant 4 : index
    %get3A_223 = arith.constant 0 : index
    %get3A_224 = vector.load %arg4[%get3A_222, %get3A_223] : memref<8x512xf32, #tpu.memory_space<vmem>>, vector<1x512xf32>
    %add3A_225 = vector.broadcast %get3A_221 : vector<1500x1xf32> to vector<1500x512xf32>
    %add3A_226 = vector.broadcast %get3A_224 : vector<1x512xf32> to vector<1500x512xf32>
    %add3A_227 = arith.addf %add3A_225, %add3A_226 : vector<1500x512xf32>
    %mul3A_228 = arith.constant 2.000000e+00 : f32
    %mul3A_229 = vector.broadcast %mul3A_228 : f32 to vector<1500x512xf32>
    %mul3A_230 = arith.mulf %mul3A_229, %dot_general3A_216 : vector<1500x512xf32>
    %sub3A_231 = arith.subf %add3A_227, %mul3A_230 : vector<1500x512xf32>
    %reduce_min3A_232 = arith.constant dense<0x7F800000> : vector<1500xf32>
    %reduce_min3A_233 = vector.multi_reduction <minimumf>, %sub3A_231, %reduce_min3A_232 [1] : vector<1500x512xf32> to vector<1500xf32>
    %broadcast_in_dim3A_234 = vector.shape_cast %reduce_min3A_233 : vector<1500xf32> to vector<1500x1xf32>
    %eq3A_235 = vector.broadcast %broadcast_in_dim3A_234 : vector<1500x1xf32> to vector<1500x512xf32>
    %eq3A_236 = arith.cmpf oeq, %sub3A_231, %eq3A_235 : vector<1500x512xf32>
    %jit3A_237 = arith.constant 5.120000e+02 : f32
    %broadcast_in_dim3A_238 = vector.broadcast %jit3A_237 : f32 to vector<1500x512xf32>
    %select_n3A_239 = arith.select %eq3A_236, %convert_element_type3A, %broadcast_in_dim3A_238 : vector<1500x512xi1>, vector<1500x512xf32>
    %reduce_min3A_240 = arith.constant dense<0x7F800000> : vector<1500xf32>
    %reduce_min3A_241 = vector.multi_reduction <minimumf>, %select_n3A_239, %reduce_min3A_240 [1] : vector<1500x512xf32> to vector<1500xf32>
    %convert_element_type3A_242 = arith.fptosi %reduce_min3A_241 : vector<1500xf32> to vector<1500xi32>
    %add3A_243 = arith.constant 2048 : i32
    %add3A_244 = vector.broadcast %add3A_243 : i32 to vector<1500xi32>
    %add3A_245 = arith.addi %convert_element_type3A_242, %add3A_244 : vector<1500xi32>
    %broadcast_in_dim3A_246 = vector.shape_cast %add3A_245 : vector<1500xi32> to vector<1500x1xi32>
    %swap3A_247 = arith.constant 0 : index
    %swap3A_248 = arith.constant 0 : index
    %swap3A_249 = arith.constant 4 : index
    %swap3A_250 = vector.load %arg5[%swap3A_247, %swap3A_248, %swap3A_249] : memref<1x1500x8xi32, #tpu.memory_space<vmem>>, vector<1x1500x1xi32>
    %swap3A_251 = vector.shape_cast %swap3A_250 : vector<1x1500x1xi32> to vector<1500x1xi32>
    %swap3A_252 = vector.shape_cast %broadcast_in_dim3A_246 : vector<1500x1xi32> to vector<1x1500x1xi32>
    tpu.vector_store %arg5[%swap3A_247, %swap3A_248, %swap3A_249], %swap3A_252 {strides = array<i32>} : memref<1x1500x8xi32, #tpu.memory_space<vmem>>, vector<1x1500x1xi32>,
    %reduce_sum3A_253 = vector.shape_cast %reduce_min3A_233 : vector<1500xf32> to vector<1x1500xf32>
    %reduce_sum3A_254 = arith.constant dense<0.000000e+00> : vector<1xf32>
    %reduce_sum3A_255 = vector.multi_reduction <add>, %reduce_sum3A_253, %reduce_sum3A_254 [1] : vector<1x1500xf32> to vector<1xf32>
    %reduce_sum3A_256 = vector.shape_cast %reduce_sum3A_255 : vector<1xf32> to vector<1x1xf32>
    %reduce_sum3A_257 = vector.extract %reduce_sum3A_256[0, 0] : f32 from vector<1x1xf32>
    %add3A_258 = arith.addf %add3A_204, %reduce_sum3A_257 : f32
    %get3A_259 = arith.constant 0 : index
    %get3A_260 = arith.constant 0 : index
    %get3A_261 = arith.constant 320 : index
    %get3A_262 = vector.load %arg1[%get3A_259, %get3A_260, %get3A_261] : memref<1x1500x512xf32, #tpu.memory_space<vmem>>, vector<1x1500x64xf32>
    %get3A_263 = vector.shape_cast %get3A_262 : vector<1x1500x64xf32> to vector<1500x64xf32>
    %get3A_264 = arith.constant 5 : index
    %get3A_265 = arith.constant 0 : index
    %get3A_266 = arith.constant 0 : index
    %get3A_267 = vector.load %arg2[%get3A_264, %get3A_265, %get3A_266] : memref<8x64x512xf32, #tpu.memory_space<vmem>>, vector<1x64x512xf32>
    %get3A_268 = vector.shape_cast %get3A_267 : vector<1x64x512xf32> to vector<64x512xf32>
    %dot_general3A_269 = arith.constant dense<0.000000e+00> : vector<1500x512xf32>
    %dot_general3A_270 = tpu.matmul %get3A_263, %get3A_268, %dot_general3A_269 {dimension_numbers = #tpu.dot_dimension_numbers<[1], [0], [0], [1], [0, 0, 1, 1], [], []>, transpose_lhs_hint = false} : vector<1500x64xf32>, vector<64x512xf32>, vector<1500x512xf32> -> vector<1500x512xf32>
    %get3A_271 = arith.constant 0 : index
    %get3A_272 = arith.constant 0 : index
    %get3A_273 = arith.constant 5 : index
    %get3A_274 = vector.load %arg3[%get3A_271, %get3A_272, %get3A_273] : memref<1x1500x8xf32, #tpu.memory_space<vmem>>, vector<1x1500x1xf32>
    %get3A_275 = vector.shape_cast %get3A_274 : vector<1x1500x1xf32> to vector<1500x1xf32>
    %get3A_276 = arith.constant 5 : index
    %get3A_277 = arith.constant 0 : index
    %get3A_278 = vector.load %arg4[%get3A_276, %get3A_277] : memref<8x512xf32, #tpu.memory_space<vmem>>, vector<1x512xf32>
    %add3A_279 = vector.broadcast %get3A_275 : vector<1500x1xf32> to vector<1500x512xf32>
    %add3A_280 = vector.broadcast %get3A_278 : vector<1x512xf32> to vector<1500x512xf32>
    %add3A_281 = arith.addf %add3A_279, %add3A_280 : vector<1500x512xf32>
    %mul3A_282 = arith.constant 2.000000e+00 : f32
    %mul3A_283 = vector.broadcast %mul3A_282 : f32 to vector<1500x512xf32>
    %mul3A_284 = arith.mulf %mul3A_283, %dot_general3A_270 : vector<1500x512xf32>
    %sub3A_285 = arith.subf %add3A_281, %mul3A_284 : vector<1500x512xf32>
    %reduce_min3A_286 = arith.constant dense<0x7F800000> : vector<1500xf32>
    %reduce_min3A_287 = vector.multi_reduction <minimumf>, %sub3A_285, %reduce_min3A_286 [1] : vector<1500x512xf32> to vector<1500xf32>
    %broadcast_in_dim3A_288 = vector.shape_cast %reduce_min3A_287 : vector<1500xf32> to vector<1500x1xf32>
    %eq3A_289 = vector.broadcast %broadcast_in_dim3A_288 : vector<1500x1xf32> to vector<1500x512xf32>
    %eq3A_290 = arith.cmpf oeq, %sub3A_285, %eq3A_289 : vector<1500x512xf32>
    %jit3A_291 = arith.constant 5.120000e+02 : f32
    %broadcast_in_dim3A_292 = vector.broadcast %jit3A_291 : f32 to vector<1500x512xf32>
    %select_n3A_293 = arith.select %eq3A_290, %convert_element_type3A, %broadcast_in_dim3A_292 : vector<1500x512xi1>, vector<1500x512xf32>
    %reduce_min3A_294 = arith.constant dense<0x7F800000> : vector<1500xf32>
    %reduce_min3A_295 = vector.multi_reduction <minimumf>, %select_n3A_293, %reduce_min3A_294 [1] : vector<1500x512xf32> to vector<1500xf32>
    %convert_element_type3A_296 = arith.fptosi %reduce_min3A_295 : vector<1500xf32> to vector<1500xi32>
    %add3A_297 = arith.constant 2560 : i32
    %add3A_298 = vector.broadcast %add3A_297 : i32 to vector<1500xi32>
    %add3A_299 = arith.addi %convert_element_type3A_296, %add3A_298 : vector<1500xi32>
    %broadcast_in_dim3A_300 = vector.shape_cast %add3A_299 : vector<1500xi32> to vector<1500x1xi32>
    %swap3A_301 = arith.constant 0 : index
    %swap3A_302 = arith.constant 0 : index
    %swap3A_303 = arith.constant 5 : index
    %swap3A_304 = vector.load %arg5[%swap3A_301, %swap3A_302, %swap3A_303] : memref<1x1500x8xi32, #tpu.memory_space<vmem>>, vector<1x1500x1xi32>
    %swap3A_305 = vector.shape_cast %swap3A_304 : vector<1x1500x1xi32> to vector<1500x1xi32>
    %swap3A_306 = vector.shape_cast %broadcast_in_dim3A_300 : vector<1500x1xi32> to vector<1x1500x1xi32>
    tpu.vector_store %arg5[%swap3A_301, %swap3A_302, %swap3A_303], %swap3A_306 {strides = array<i32>} : memref<1x1500x8xi32, #tpu.memory_space<vmem>>, vector<1x1500x1xi32>,
    %reduce_sum3A_307 = vector.shape_cast %reduce_min3A_287 : vector<1500xf32> to vector<1x1500xf32>
    %reduce_sum3A_308 = arith.constant dense<0.000000e+00> : vector<1xf32>
    %reduce_sum3A_309 = vector.multi_reduction <add>, %reduce_sum3A_307, %reduce_sum3A_308 [1] : vector<1x1500xf32> to vector<1xf32>
    %reduce_sum3A_310 = vector.shape_cast %reduce_sum3A_309 : vector<1xf32> to vector<1x1xf32>
    %reduce_sum3A_311 = vector.extract %reduce_sum3A_310[0, 0] : f32 from vector<1x1xf32>
    %add3A_312 = arith.addf %add3A_258, %reduce_sum3A_311 : f32
    %get3A_313 = arith.constant 0 : index
    %get3A_314 = arith.constant 0 : index
    %get3A_315 = arith.constant 384 : index
    %get3A_316 = vector.load %arg1[%get3A_313, %get3A_314, %get3A_315] : memref<1x1500x512xf32, #tpu.memory_space<vmem>>, vector<1x1500x64xf32>
    %get3A_317 = vector.shape_cast %get3A_316 : vector<1x1500x64xf32> to vector<1500x64xf32>
    %get3A_318 = arith.constant 6 : index
    %get3A_319 = arith.constant 0 : index
    %get3A_320 = arith.constant 0 : index
    %get3A_321 = vector.load %arg2[%get3A_318, %get3A_319, %get3A_320] : memref<8x64x512xf32, #tpu.memory_space<vmem>>, vector<1x64x512xf32>
    %get3A_322 = vector.shape_cast %get3A_321 : vector<1x64x512xf32> to vector<64x512xf32>
    %dot_general3A_323 = arith.constant dense<0.000000e+00> : vector<1500x512xf32>
    %dot_general3A_324 = tpu.matmul %get3A_317, %get3A_322, %dot_general3A_323 {dimension_numbers = #tpu.dot_dimension_numbers<[1], [0], [0], [1], [0, 0, 1, 1], [], []>, transpose_lhs_hint = false} : vector<1500x64xf32>, vector<64x512xf32>, vector<1500x512xf32> -> vector<1500x512xf32>
    %get3A_325 = arith.constant 0 : index
    %get3A_326 = arith.constant 0 : index
    %get3A_327 = arith.constant 6 : index
    %get3A_328 = vector.load %arg3[%get3A_325, %get3A_326, %get3A_327] : memref<1x1500x8xf32, #tpu.memory_space<vmem>>, vector<1x1500x1xf32>
    %get3A_329 = vector.shape_cast %get3A_328 : vector<1x1500x1xf32> to vector<1500x1xf32>
    %get3A_330 = arith.constant 6 : index
    %get3A_331 = arith.constant 0 : index
    %get3A_332 = vector.load %arg4[%get3A_330, %get3A_331] : memref<8x512xf32, #tpu.memory_space<vmem>>, vector<1x512xf32>
    %add3A_333 = vector.broadcast %get3A_329 : vector<1500x1xf32> to vector<1500x512xf32>
    %add3A_334 = vector.broadcast %get3A_332 : vector<1x512xf32> to vector<1500x512xf32>
    %add3A_335 = arith.addf %add3A_333, %add3A_334 : vector<1500x512xf32>
    %mul3A_336 = arith.constant 2.000000e+00 : f32
    %mul3A_337 = vector.broadcast %mul3A_336 : f32 to vector<1500x512xf32>
    %mul3A_338 = arith.mulf %mul3A_337, %dot_general3A_324 : vector<1500x512xf32>
    %sub3A_339 = arith.subf %add3A_335, %mul3A_338 : vector<1500x512xf32>
    %reduce_min3A_340 = arith.constant dense<0x7F800000> : vector<1500xf32>
    %reduce_min3A_341 = vector.multi_reduction <minimumf>, %sub3A_339, %reduce_min3A_340 [1] : vector<1500x512xf32> to vector<1500xf32>
    %broadcast_in_dim3A_342 = vector.shape_cast %reduce_min3A_341 : vector<1500xf32> to vector<1500x1xf32>
    %eq3A_343 = vector.broadcast %broadcast_in_dim3A_342 : vector<1500x1xf32> to vector<1500x512xf32>
    %eq3A_344 = arith.cmpf oeq, %sub3A_339, %eq3A_343 : vector<1500x512xf32>
    %jit3A_345 = arith.constant 5.120000e+02 : f32
    %broadcast_in_dim3A_346 = vector.broadcast %jit3A_345 : f32 to vector<1500x512xf32>
    %select_n3A_347 = arith.select %eq3A_344, %convert_element_type3A, %broadcast_in_dim3A_346 : vector<1500x512xi1>, vector<1500x512xf32>
    %reduce_min3A_348 = arith.constant dense<0x7F800000> : vector<1500xf32>
    %reduce_min3A_349 = vector.multi_reduction <minimumf>, %select_n3A_347, %reduce_min3A_348 [1] : vector<1500x512xf32> to vector<1500xf32>
    %convert_element_type3A_350 = arith.fptosi %reduce_min3A_349 : vector<1500xf32> to vector<1500xi32>
    %add3A_351 = arith.constant 3072 : i32
    %add3A_352 = vector.broadcast %add3A_351 : i32 to vector<1500xi32>
    %add3A_353 = arith.addi %convert_element_type3A_350, %add3A_352 : vector<1500xi32>
    %broadcast_in_dim3A_354 = vector.shape_cast %add3A_353 : vector<1500xi32> to vector<1500x1xi32>
    %swap3A_355 = arith.constant 0 : index
    %swap3A_356 = arith.constant 0 : index
    %swap3A_357 = arith.constant 6 : index
    %swap3A_358 = vector.load %arg5[%swap3A_355, %swap3A_356, %swap3A_357] : memref<1x1500x8xi32, #tpu.memory_space<vmem>>, vector<1x1500x1xi32>
    %swap3A_359 = vector.shape_cast %swap3A_358 : vector<1x1500x1xi32> to vector<1500x1xi32>
    %swap3A_360 = vector.shape_cast %broadcast_in_dim3A_354 : vector<1500x1xi32> to vector<1x1500x1xi32>
    tpu.vector_store %arg5[%swap3A_355, %swap3A_356, %swap3A_357], %swap3A_360 {strides = array<i32>} : memref<1x1500x8xi32, #tpu.memory_space<vmem>>, vector<1x1500x1xi32>,
    %reduce_sum3A_361 = vector.shape_cast %reduce_min3A_341 : vector<1500xf32> to vector<1x1500xf32>
    %reduce_sum3A_362 = arith.constant dense<0.000000e+00> : vector<1xf32>
    %reduce_sum3A_363 = vector.multi_reduction <add>, %reduce_sum3A_361, %reduce_sum3A_362 [1] : vector<1x1500xf32> to vector<1xf32>
    %reduce_sum3A_364 = vector.shape_cast %reduce_sum3A_363 : vector<1xf32> to vector<1x1xf32>
    %reduce_sum3A_365 = vector.extract %reduce_sum3A_364[0, 0] : f32 from vector<1x1xf32>
    %add3A_366 = arith.addf %add3A_312, %reduce_sum3A_365 : f32
    %get3A_367 = arith.constant 0 : index
    %get3A_368 = arith.constant 0 : index
    %get3A_369 = arith.constant 448 : index
    %get3A_370 = vector.load %arg1[%get3A_367, %get3A_368, %get3A_369] : memref<1x1500x512xf32, #tpu.memory_space<vmem>>, vector<1x1500x64xf32>
    %get3A_371 = vector.shape_cast %get3A_370 : vector<1x1500x64xf32> to vector<1500x64xf32>
    %get3A_372 = arith.constant 7 : index
    %get3A_373 = arith.constant 0 : index
    %get3A_374 = arith.constant 0 : index
    %get3A_375 = vector.load %arg2[%get3A_372, %get3A_373, %get3A_374] : memref<8x64x512xf32, #tpu.memory_space<vmem>>, vector<1x64x512xf32>
    %get3A_376 = vector.shape_cast %get3A_375 : vector<1x64x512xf32> to vector<64x512xf32>
    %dot_general3A_377 = arith.constant dense<0.000000e+00> : vector<1500x512xf32>
    %dot_general3A_378 = tpu.matmul %get3A_371, %get3A_376, %dot_general3A_377 {dimension_numbers = #tpu.dot_dimension_numbers<[1], [0], [0], [1], [0, 0, 1, 1], [], []>, transpose_lhs_hint = false} : vector<1500x64xf32>, vector<64x512xf32>, vector<1500x512xf32> -> vector<1500x512xf32>
    %get3A_379 = arith.constant 0 : index
    %get3A_380 = arith.constant 0 : index
    %get3A_381 = arith.constant 7 : index
    %get3A_382 = vector.load %arg3[%get3A_379, %get3A_380, %get3A_381] : memref<1x1500x8xf32, #tpu.memory_space<vmem>>, vector<1x1500x1xf32>
    %get3A_383 = vector.shape_cast %get3A_382 : vector<1x1500x1xf32> to vector<1500x1xf32>
    %get3A_384 = arith.constant 7 : index
    %get3A_385 = arith.constant 0 : index
    %get3A_386 = vector.load %arg4[%get3A_384, %get3A_385] : memref<8x512xf32, #tpu.memory_space<vmem>>, vector<1x512xf32>
    %add3A_387 = vector.broadcast %get3A_383 : vector<1500x1xf32> to vector<1500x512xf32>
    %add3A_388 = vector.broadcast %get3A_386 : vector<1x512xf32> to vector<1500x512xf32>
    %add3A_389 = arith.addf %add3A_387, %add3A_388 : vector<1500x512xf32>
    %mul3A_390 = arith.constant 2.000000e+00 : f32
    %mul3A_391 = vector.broadcast %mul3A_390 : f32 to vector<1500x512xf32>
    %mul3A_392 = arith.mulf %mul3A_391, %dot_general3A_378 : vector<1500x512xf32>
    %sub3A_393 = arith.subf %add3A_389, %mul3A_392 : vector<1500x512xf32>
    %reduce_min3A_394 = arith.constant dense<0x7F800000> : vector<1500xf32>
    %reduce_min3A_395 = vector.multi_reduction <minimumf>, %sub3A_393, %reduce_min3A_394 [1] : vector<1500x512xf32> to vector<1500xf32>
    %broadcast_in_dim3A_396 = vector.shape_cast %reduce_min3A_395 : vector<1500xf32> to vector<1500x1xf32>
    %eq3A_397 = vector.broadcast %broadcast_in_dim3A_396 : vector<1500x1xf32> to vector<1500x512xf32>
    %eq3A_398 = arith.cmpf oeq, %sub3A_393, %eq3A_397 : vector<1500x512xf32>
    %jit3A_399 = arith.constant 5.120000e+02 : f32
    %broadcast_in_dim3A_400 = vector.broadcast %jit3A_399 : f32 to vector<1500x512xf32>
    %select_n3A_401 = arith.select %eq3A_398, %convert_element_type3A, %broadcast_in_dim3A_400 : vector<1500x512xi1>, vector<1500x512xf32>
    %reduce_min3A_402 = arith.constant dense<0x7F800000> : vector<1500xf32>
    %reduce_min3A_403 = vector.multi_reduction <minimumf>, %select_n3A_401, %reduce_min3A_402 [1] : vector<1500x512xf32> to vector<1500xf32>
    %convert_element_type3A_404 = arith.fptosi %reduce_min3A_403 : vector<1500xf32> to vector<1500xi32>
    %add3A_405 = arith.constant 3584 : i32
    %add3A_406 = vector.broadcast %add3A_405 : i32 to vector<1500xi32>
    %add3A_407 = arith.addi %convert_element_type3A_404, %add3A_406 : vector<1500xi32>
    %broadcast_in_dim3A_408 = vector.shape_cast %add3A_407 : vector<1500xi32> to vector<1500x1xi32>
    %swap3A_409 = arith.constant 0 : index
    %swap3A_410 = arith.constant 0 : index
    %swap3A_411 = arith.constant 7 : index
    %swap3A_412 = vector.load %arg5[%swap3A_409, %swap3A_410, %swap3A_411] : memref<1x1500x8xi32, #tpu.memory_space<vmem>>, vector<1x1500x1xi32>
    %swap3A_413 = vector.shape_cast %swap3A_412 : vector<1x1500x1xi32> to vector<1500x1xi32>
    %swap3A_414 = vector.shape_cast %broadcast_in_dim3A_408 : vector<1500x1xi32> to vector<1x1500x1xi32>
    tpu.vector_store %arg5[%swap3A_409, %swap3A_410, %swap3A_411], %swap3A_414 {strides = array<i32>} : memref<1x1500x8xi32, #tpu.memory_space<vmem>>, vector<1x1500x1xi32>,
    %reduce_sum3A_415 = vector.shape_cast %reduce_min3A_395 : vector<1500xf32> to vector<1x1500xf32>
    %reduce_sum3A_416 = arith.constant dense<0.000000e+00> : vector<1xf32>
    %reduce_sum3A_417 = vector.multi_reduction <add>, %reduce_sum3A_415, %reduce_sum3A_416 [1] : vector<1x1500xf32> to vector<1xf32>
    %reduce_sum3A_418 = vector.shape_cast %reduce_sum3A_417 : vector<1xf32> to vector<1x1xf32>
    %reduce_sum3A_419 = vector.extract %reduce_sum3A_418[0, 0] : f32 from vector<1x1xf32>
    %add3A_420 = arith.addf %add3A_366, %reduce_sum3A_419 : f32
    %eq3A_421 = arith.constant 0 : i32
    %eq3A_422 = arith.cmpi eq, %arg0, %eq3A_421 : i32
    %convert_element_type3A_423 = arith.extui %eq3A_422 : i1 to i32
    %cond3A = arith.constant 0 : i32
    %cond3A_424 = arith.cmpi ne, %convert_element_type3A_423, %cond3A : i32
    scf.if %cond3A_424 {
      %broadcast_in_dim3A_432 = arith.constant 0.000000e+00 : f32
      %broadcast_in_dim3A_433 = vector.broadcast %broadcast_in_dim3A_432 : f32 to vector<1x1xf32>
      %swap3A_434 = arith.constant 0 : index
      %swap3A_435 = arith.constant 0 : index
      %swap3A_436 = vector.load %arg6[%swap3A_434, %swap3A_435] : memref<1x1xf32, #tpu.memory_space<vmem>>, vector<1x1xf32>
      tpu.vector_store %arg6[%swap3A_434, %swap3A_435], %broadcast_in_dim3A_433 {strides = array<i32>} : memref<1x1xf32, #tpu.memory_space<vmem>>, vector<1x1xf32>,
    } else {
    }
    %get3A_425 = arith.constant 0 : index
    %get3A_426 = arith.constant 0 : index
    %get3A_427 = vector.load %arg6[%get3A_425, %get3A_426] : memref<1x1xf32, #tpu.memory_space<vmem>>, vector<1x1xf32>
    %reshape3A = vector.broadcast %add3A_420 : f32 to vector<1x1xf32>
    %add3A_428 = arith.addf %get3A_427, %reshape3A : vector<1x1xf32>
    %swap3A_429 = arith.constant 0 : index
    %swap3A_430 = arith.constant 0 : index
    %swap3A_431 = vector.load %arg6[%swap3A_429, %swap3A_430] : memref<1x1xf32, #tpu.memory_space<vmem>>, vector<1x1xf32>
    tpu.vector_store %arg6[%swap3A_429, %swap3A_430], %add3A_428 {strides = array<i32>} : memref<1x1xf32, #tpu.memory_space<vmem>>, vector<1x1xf32>,
    return
  }
  func.func @transform_0(%arg0: i32) -> (i32, i32, i32) {
    %c0_i32 = arith.constant 0 : i32
    %c0_i32_0 = arith.constant 0 : i32
    %c0_i32_1 = arith.constant 0 : i32
    return %arg0, %c0_i32, %c0_i32_0 : i32, i32, i32
  }
  func.func @transform_1(%arg0: i32) -> (i32, i32, i32) {
    %c0_i32 = arith.constant 0 : i32
    %c0_i32_0 = arith.constant 0 : i32
    %c0_i32_1 = arith.constant 0 : i32
    %c0_i32_2 = arith.constant 0 : i32
    return %c0_i32, %c0_i32_0, %c0_i32_1 : i32, i32, i32
  }
  func.func @transform_2(%arg0: i32) -> (i32, i32, i32) {
    %c0_i32 = arith.constant 0 : i32
    %c0_i32_0 = arith.constant 0 : i32
    %c0_i32_1 = arith.constant 0 : i32
    return %arg0, %c0_i32, %c0_i32_0 : i32, i32, i32
  }
  func.func @transform_3(%arg0: i32) -> (i32, i32) {
    %c0_i32 = arith.constant 0 : i32
    %c0_i32_0 = arith.constant 0 : i32
    %c0_i32_1 = arith.constant 0 : i32
    return %c0_i32, %c0_i32_0 : i32, i32
  }
  func.func @transform_4(%arg0: i32) -> (i32, i32, i32) {
    %c0_i32 = arith.constant 0 : i32
    %c0_i32_0 = arith.constant 0 : i32
    %c0_i32_1 = arith.constant 0 : i32
    return %arg0, %c0_i32, %c0_i32_0 : i32, i32, i32
  }
  func.func @transform_5(%arg0: i32) -> (i32, i32) {
    %c0_i32 = arith.constant 0 : i32
    %c0_i32_0 = arith.constant 0 : i32
    %c0_i32_1 = arith.constant 0 : i32
    return %c0_i32, %c0_i32_0 : i32, i32
  }
}

</mosaic_0001>

<sc_bundles>
// kernel: kernel.4.cloned.1.call-start
scs
__scs_entry_jumppad:
0x0: {  	(pc) =	sbr.rel $0x88, $3  }
0x1: {  	(tag) =	ssettag $0x0;
	lr =	simm.s32 $0x1  }
0x2: {  	[smem:$0x3F9F] =	sst lr;
	_ =	strace $0xD0000000  }
0x3: {  	_ = 	snop  }
0x4: {  	_ = 	snop  }
0x5: {  	_ = 	snop  }
0x6: {  	_ = 	snop  }
0x7: {  	_ = 	snop  }
__scs_overlays_trampoline_lowered:
0x8: {  	[smem:$0x3FAE] =	sst s0  }
0x9: {  	[smem:$0x3FAF] =	sst s1  }
0xa: {  	[smem:$0x3FB0] =	sst s2  }
0xb: {  	[smem:$0x3FB1] =	sst s3  }
0xc: {  	[smem:$0x3FB2] =	sst s4  }
0xd: {  	[smem:$0x3FB3] =	sst s5  }
0xe: {  	[smem:$0x3FB4] =	sst s6  }
0xf: {  	[smem:$0x3FB5] =	sst s7  }
0x10: {  	[smem:$0x3FB6] =	sst s8  }
0x11: {  	[smem:$0x3FB7] =	sst s9;
	s0 =	simm.s32 @!p0 $0x0  }
0x12: {  	s1 =	sld [smem:$0x3F9D];
	s0 =	simm.s32 @p0 $0x1  }
0x13: {  	[smem:$0x3FB8] =	sst s0;
	s0 =	simm.s32 @!p1 $0x0  }
0x14: {  	s2 =	sld [smem:$0x3F9C];
	s0 =	simm.s32 @p1 $0x1  }
0x15: {  	[smem:$0x3FB9] =	sst s0;
	s0 =	simm.s32 @!p2 $0x0  }
0x16: {  	s3 =	sld [smem:$0x3FDB];
	s0 =	simm.s32 @p2 $0x1  }
0x17: {  	s4 =	simm.s32 $0x1BF5;
	[smem:$0x3FBB] =	sst s0  }
0x18: {  	s0 =	sld [smem:$0x3F9E];
	_ =	swait.ge [sflag:s4], $0x0  }
0x19: {  	s7 =	sld [smem:$0x3F9F]  }
0x1a: {  	s8 =	sadd.s32 $0xFFFFE003, lr  }
0x1b: {  	s9 =	sadd.s32 $0xFFFFFEF7, lr;
	s5 =	simm.s32 $0xFFFFFFFF;
	p2 =	slt.u32 s8, $0xFFFFF086  }
0x1c: {  	p1 =	slt.u32 s9, $0xF7A;
	s5 =	simm.s32 @!p2 $0x0  }
0x1d: {  	s5 =	simm.s32 @p1 $0x1;
	p0 =	seq.s32 s7, s2  }
0x1e: {  	s7 =	smul.u32 @!p0 $0xF7A, s2;
	p2 =	seq.s32 @!p0 s5, $0x0  }
0x1f: {  	s9 =	smul.u32 $0xF7A, s1;
	s8 =	simm.s32 @!p0 $0x1BF5;
	p2 =	por !p2, p0  }
0x20: {  	[sflag:s8] =	ssyncset.s32 @!p0 $0xFFFFF086;
	s6 =	sadd.s32 @!p0 s3, s7;
	s7 =	simm.s32 @!p0 $0x108  }
0x21: {  	s3 =	sadd.s32 s3, s9;
	s6 =	sadd.s32 @!p0 $0x88, s6;
	s7 =	simm.s32 @p2 $0x1082  }
0x22: {  	[simem:s7], [sflag:s8] =	dma.local @!p0 [hbm:s6], $0xF7A  }
0x23: {  	s9 =	sor.u32 $0xD0000000, s2;
	s6 =	simm.s32 $0x108;
	_ =	swait.ge @!p0 [sflag:s8], $0x0  }
0x24: {  	s3 =	sadd.s32 $0x88, s3;
	s6 =	simm.s32 @!p1 $0x1082;
	[sflag:s4] =	ssyncset.s32 $0xFFFFF086  }
0x25: {  	[simem:s6], [sflag:s4] =	dma.local [hbm:s3], $0xF7A  }
0x26: {  	[smem:$0x3F9F] =	sst s1;
	(tag) =	ssettag s2;
	_ =	strace s9  }
0x27: {  	s1 =	sld [smem:$0x3FAF]  }
0x28: {  	s2 =	sld [smem:$0x3FB0]  }
0x29: {  	s4 =	sld [smem:$0x3FB2]  }
0x2a: {  	p0 =	seq.s32 s5, $0x0;
	s5 =	sld [smem:$0x3FB3]  }
0x2b: {  	s6 =	sld [smem:$0x3FB4]  }
0x2c: {  	s7 =	sld [smem:$0x3FB5]  }
0x2d: {  	s3 =	simm.s32 $0x108;
	s8 =	sld [smem:$0x3FB6]  }
0x2e: {  	s3 =	simm.s32 @!p0 $0x1082;
	s9 =	sld [smem:$0x3FB7]  }
0x2f: {  	lr =	sadd.s32 s0, s3;
	s0 =	sld [smem:$0x3FAE]  }
0x30: {  	s3 =	sld [smem:$0x3FB1]  }
0x31: {  	[smem:$0x3FBA] =	sst s10  }
0x32: {  	s10 =	sld [smem:$0x3FB8];
	_ =	sdelay $0x3  }
0x33: {  	p0 =	seq.s32 s10, $0x1;
	s10 =	sld [smem:$0x3FBA];
	_ =	sdelay $0x3  }
0x34: {  	[smem:$0x3FBA] =	sst s10  }
0x35: {  	s10 =	sld [smem:$0x3FB9];
	_ =	sdelay $0x3  }
0x36: {  	p1 =	seq.s32 s10, $0x1;
	s10 =	sld [smem:$0x3FBA];
	_ =	sdelay $0x3  }
0x37: {  	[smem:$0x3FBA] =	sst s10  }
0x38: {  	s10 =	sld [smem:$0x3FBB]  }
0x39: {  	_ = 	snop;
	(pc) =	sbr.ind lr, $3  }
0x3a: {  	_ = 	snop  }
0x3b: {  	_ = 	snop  }
0x3c: {  	p2 =	seq.s32 s10, $0x1;
	s10 =	sld [smem:$0x3FBA]  }
0x3d: {  	_ =	shalt  }
0x3e: {  	_ =	shalt  }
0x3f: {  	_ =	shalt  }
0x40: {  	_ =	shalt  }
0x41: {  	_ =	shalt  }
0x42: {  	_ =	shalt  }
0x43: {  	_ =	shalt  }
0x44: {  	_ =	shalt  }
0x45: {  	_ =	shalt  }
0x46: {  	_ =	shalt  }
0x47: {  	_ =	shalt  }
0x48: {  	_ =	shalt  }
0x49: {  	_ =	shalt  }
0x4a: {  	_ =	shalt  }
0x4b: {  	_ =	shalt  }
0x4c: {  	_ =	shalt  }
0x4d: {  	_ =	shalt  }
0x4e: {  	_ =	shalt  }
0x4f: {  	_ =	shalt  }
0x50: {  	_ =	shalt  }
0x51: {  	_ =	shalt  }
0x52: {  	_ =	shalt  }
0x53: {  	_ =	shalt  }
0x54: {  	_ =	shalt  }
0x55: {  	_ =	shalt  }
0x56: {  	_ =	shalt  }
0x57: {  	_ =	shalt  }
0x58: {  	_ =	shalt  }
0x59: {  	_ =	shalt  }
0x5a: {  	_ =	shalt  }
0x5b: {  	_ =	shalt  }
0x5c: {  	_ =	shalt  }
0x5d: {  	_ =	shalt  }
0x5e: {  	_ =	shalt  }
0x5f: {  	_ =	shalt  }
0x60: {  	_ =	shalt  }
0x61: {  	_ =	shalt  }
0x62: {  	_ =	shalt  }
0x63: {  	_ =	shalt  }
0x64: {  	_ =	shalt  }
0x65: {  	_ =	shalt  }
0x66: {  	_ =	shalt  }
0x67: {  	_ =	shalt  }
0x68: {  	_ =	shalt  }
0x69: {  	_ =	shalt  }
0x6a: {  	_ =	shalt  }
0x6b: {  	_ =	shalt  }
0x6c: {  	_ =	shalt  }
0x6d: {  	_ =	shalt  }
0x6e: {  	_ =	shalt  }
0x6f: {  	_ =	shalt  }
0x70: {  	_ =	shalt  }
0x71: {  	_ =	shalt  }
0x72: {  	_ =	shalt  }
0x73: {  	_ =	shalt  }
0x74: {  	_ =	shalt  }
0x75: {  	_ =	shalt  }
0x76: {  	_ =	shalt  }
0x77: {  	_ =	shalt  }
0x78: {  	_ =	shalt  }
0x79: {  	_ =	shalt  }
0x7a: {  	_ =	shalt  }
0x7b: {  	_ =	shalt  }
0x7c: {  	_ =	shalt  }
0x7d: {  	_ =	shalt  }
0x7e: {  	_ =	shalt  }
0x7f: {  	_ =	shalt  }
0x80: {  	_ =	shalt  }
0x81: {  	_ =	shalt  }
0x82: {  	_ =	shalt  }
0x83: {  	_ =	shalt  }
0x84: {  	_ =	shalt  }
0x85: {  	_ =	shalt  }
0x86: {  	_ =	shalt  }
0x87: {  	_ =	shalt  }
.Lfunc_end0:
.L_simem_size_0:
called_computation_lowered:
.L_overlay_start_0:
0x88: {  	s2 =	sld [smem:$0x3FD9]  }
0x89: {  	s3 =	sld [smem:$0x3FFE];
	_ =	sdelay $0x1  }
0x8a: {  	s1 =	srdreg.scid  }
0x8b: {  	s0 =	sand.u32 $0x1, s1  }
0x8c: {  	s14 =	sshll.u32 s0, $0xA;
	s2 =	sadd.s32 s3, s2  }
0x8d: {  	s2 =	sadd.s32 s2, s14  }
0x8e: {  	[smem:$0x3FC6] =	sst s2  }
0x8f: {  	_ = 	snop  }
0x90: {  	s2 =	sld [smem:$0x3FD0];
	_ =	sdelay $0x2  }
0x91: {  	s15 =	simm.s32 $0xA;
	s4 =	simm.s32 $0x10  }
0x92: {  	[smem:s4], [sflag:s15] =	dma.local [hbm:s2], $0x1  }
0x93: {  	_ =	swait.eq [sflag:s15], $0x1  }
0x94: {  	[sflag:s15] =	ssyncset.done $0x0  }
0x95: {  	[sflag:s15] =	ssyncadd.s32 $0xFFFFFFFF  }
0x96: {  	s16 =	sld [smem:$0x10];
	(tm) =	ssettm $0x1  }
0x97: {  	s17 =	sld [smem:$0x3FFB];
	_ =	sdelay $0x3  }
0x98: {  	_ =	strace s17  }
0x99: {  	s3 =	sld [smem:$0x3FFC];
	_ =	sdelay $0x3  }
0x9a: {  	_ =	strace s3  }
0x9b: {  	s3 =	sld [smem:$0x3FFD];
	_ =	sdelay $0x3  }
0x9c: {  	_ =	strace s3  }
0x9d: {  	_ =	strace $0x8FFFFFFF  }
0x9e: {  	s18 =	sld [smem:$0x3FDB];
	_ =	sdelay $0x1  }
0x9f: {  	s19 =	simm.s32 $_scs_section_size  }
0xa0: {  	s5 =	simm.s32 $_size__tile_overlayer_lowered;
	s6 =	simm.s32 $_tile_overlayer_lowered  }
0xa1: {  	s22 =	simm.s32 $0x1BFF;
	s21 =	sshll.u32 s6, $0x1;
	s3 =	sadd.s32 s19, s18  }
0xa2: {  	s7 =	simm.s32 $0x0;
	s20 =	sshll.u32 s5, $0x1;
	s5 =	sadd.s32 s21, s3  }
0xa3: {  	[timem:s7], [sflag:s22] =	dma.local [hbm:s5], s20  }
0xa4: {  	_ =	swait.ge [sflag:s22], s20  }
0xa5: {  	s4 =	ssub.s32 $0x0, s20;
	[sflag:s22] =	ssyncset.done $0x0  }
0xa6: {  	[sflag:s22] =	ssyncadd.s32 s4;
	_ =	sdelay $0x1  }
0xa7: {  	s23 =	simm.s32 $0x1B8B  }
0xa8: {  	_ =	swait.ge [sflag:s23], $0x1  }
0xa9: {  	[sflag:s23] =	ssyncset.done $0x0  }
0xaa: {  	s25 =	simm.s32 $0x1B8E;
	s24 =	sld [smem:$0x3FFE];
	[sflag:s23] =	ssyncadd.s32 $0xFFFFFFFF  }
0xab: {  	s26 =	simm.s32 $execute0_lowered;
	[smem:$0x3FD2] =	sst s25  }
0xac: {  	s5 =	sshll.u32 s26, $0x1;
	_ =	strace $0x80000046;
	[dreg:$0x1] =	wrdreg $0xFFFFFFFF  }
0xad: {  	s28 =	simm.s32 $_size_execute0_lowered;
	s3 =	sadd.s32 s3, s5;
	[dreg:$0x0] =	wrdreg $0x0  }
0xae: {  	s5 =	sshll.u32 s28, $0x1;
	[dreg:$0x2] =	wrdreg s3  }
0xaf: {  	[dreg:$0x3] =	wrdreg s5  }
0xb0: {  	[dreg:$0x4] =	wrdreg $0xC0  }
0xb1: {  	_ =	task [dreg:s7], $0x5FFFF  }
0xb2: {  	[dreg:$0x1] =	wrdreg $0xFFFFFFFF  }
0xb3: {  	[dreg:$0x0] =	wrdreg $0x60  }
0xb4: {  	[dreg:$0x2] =	wrdreg s24  }
0xb5: {  	[dreg:$0x3] =	wrdreg s16  }
0xb6: {  	[dreg:$0x4] =	wrdreg $0x9  }
0xb7: {  	_ =	task.clear_ibuf [dreg:s7], $0x5FFFF;
	_ =	strace $0x90000046  }
0xb8: {  	s29 =	simm.s32 $0x9;
	_ =	strace $0x80000048  }
0xb9: {  	_ =	swait.ge [sflag:s29], $0x1  }
0xba: {  	[sflag:s29] =	ssyncadd.s32 $0xFFFFFFFF  }
0xbb: {  	_ =	strace $0x90000048  }
0xbc: {  	_ =	sfence  }
0xbd: {  	s30 =	sld [smem:$0x0];
	_ =	sdelay $0x2  }
0xbe: {  	s31 =	sshll.u32 s1, $0xD;
	s1 =	sshrl.u32 s1, $0x2  }
0xbf: {  	s3 =	sand.u32 $0x4000, s31;
	s1 =	sadd.s32 s1, s30  }
0xc0: {  	s0 =	sor.u32 s3, s0;
	s1 =	sshll.u32 s1, $0x11  }
0xc1: {  	s0 =	sor.u32 s1, s0  }
0xc2: {  	s0 =	sadd.s32 $0x8F2B, s0  }
0xc3: {  	[sflag:s0] =	ssyncadd.remote.s32 $0x1  }
0xc4: {  	_ =	sfence.sel $0xFFFF  }
0xc5: {  	[dreg:$0x0] =	wrdreg $0xFFFFFFFF;
	(pc) =	sbr.abs _section_cstart, $3  }
0xc6: {  	[dreg:$0x1] =	wrdreg $0xFFFFFFFF  }
0xc7: {  	_ =	task.clear_ibuf [dreg:s7], $0x2FFFF;
	_ =	strace $0x9FFFFFFF  }
0xc8: {  	(tm) =	ssettm $0x7FFFFFFF  }
0xc9: {  	_ =	shalt  }
tec
execute0_lowered:
.L_overlay_start_1:
0x0: {  	(tag) =	ssettag $0x1  }
0x1: {  	s0 =	srdreg.scid;
	s1 =	stileid.u32  }
0x2: {  	s0 =	sand.u32 $0x1, s0;
	s2 =	sshll.u32 s1, $0x1  }
0x3: {  	s3 =	sor.u32 s0, s2  }
0x4: {  	s5 =	smul.u32 $0x177, s3  }
0x5: {  	s4 =	rddreg [dreg:$0x1];
	s2 =	simm.s32 $0x0;
	s6 =	smul.u32 $0x2EE00, s3  }
0x6: {  	[smem:$0x7FF] =	sst s2;
	s3 =	smul.u32 $0x5DC0, s3  }
0x7: {  	s1 =	rddreg [dreg:$0x0];
	_ =	strace $0x80000047  }
0x8: {  	s5 =	sadd.s32 s5, s1;
	s6 =	sshrl.u32 s6, $0x3;
	s3 =	sadd.s32 s4, s3  }
0x9: {  	s5 =	sadd.s32 $0x1600, s5;
	s4 =	sadd.s32 s4, s6;
	[dreg:$0x4] =	wrdreg s3  }
0xa: {  	[dreg:$0x3] =	wrdreg s5;
	s20 =	sadd.s32 $0x3C0, s4  }
0xb: {  	s21 =	sadd.s32 $0x780, s4;
	[dreg:$0x5] =	wrdreg s20  }
0xc: {  	s22 =	sadd.s32 $0xB40, s4;
	[dreg:$0x6] =	wrdreg s21  }
0xd: {  	s23 =	sadd.s32 $0xF00, s4;
	[dreg:$0x7] =	wrdreg s22  }
0xe: {  	s24 =	sadd.s32 $0x12C0, s4;
	[dreg:$0x8] =	wrdreg s23  }
0xf: {  	s25 =	sadd.s32 $0x1680, s4;
	[dreg:$0x9] =	wrdreg s24  }
0x10: {  	s26 =	sadd.s32 $0x1A40, s4;
	[dreg:$0xa] =	wrdreg s25  }
0x11: {  	s5 =	sadd.s32 $0x1E00, s4;
	[dreg:$0xb] =	wrdreg s26  }
0x12: {  	s6 =	sadd.s32 $0x21C0, s4;
	[dreg:$0xc] =	wrdreg s5  }
0x13: {  	s7 =	sadd.s32 $0x2580, s4;
	[dreg:$0xd] =	wrdreg s6  }
0x14: {  	s8 =	sadd.s32 $0x2940, s4;
	[dreg:$0xe] =	wrdreg s7  }
0x15: {  	s9 =	sadd.s32 $0x2D00, s4;
	[dreg:$0xf] =	wrdreg s8  }
0x16: {  	s10 =	sadd.s32 $0x30C0, s4;
	[dreg:$0x10] =	wrdreg s9  }
0x17: {  	s11 =	sadd.s32 $0x3480, s4;
	[dreg:$0x11] =	wrdreg s10  }
0x18: {  	s31 =	simm.s32 $0x5;
	s12 =	sadd.s32 $0x3840, s4;
	[dreg:$0x12] =	wrdreg s11  }
0x19: {  	s30 =	simm.s32 $0x2D0;
	s13 =	sadd.s32 $0x3C00, s4;
	[dreg:$0x13] =	wrdreg s12  }
0x1a: {  	s29 =	simm.s32 $0x348;
	s14 =	sadd.s32 $0x3FC0, s4;
	[dreg:$0x14] =	wrdreg s13  }
0x1b: {  	s28 =	simm.s32 $0x3C0;
	s15 =	sadd.s32 $0x4380, s4;
	[dreg:$0x15] =	wrdreg s14  }
0x1c: {  	p0 =	por $0x0, $0x0;
	s16 =	sadd.s32 $0x4740, s4;
	[dreg:$0x16] =	wrdreg s15  }
0x1d: {  	s0 =	ssub.s32 $0x2, s0;
	s17 =	sadd.s32 $0x4B00, s4;
	[dreg:$0x17] =	wrdreg s16  }
0x1e: {  	s3 =	simm.s32 $0xBB8;
	s18 =	sadd.s32 $0x4EC0, s4;
	[dreg:$0x18] =	wrdreg s17  }
0x1f: {  	s19 =	sadd.s32 $0x5280, s4;
	[dreg:$0x19] =	wrdreg s18;
	s20 =	sshrl.u32 s0, $0x1  }
0x20: {  	[dreg:$0x1a] =	wrdreg s19;
	s21 =	sadd.s32 $0x5640, s4;
	s22 =	sadd.s32 $0x5A00, s4  }
0x21: {  	s6 =	sadd.s32 $0xBD600, s1;
	s8 =	simm.s32 $0x78;
	s7 =	simm.s32 $0x29B8  }
0x22: {  	s5 =	simm.s32 $0x1;
	s23 =	simm.s32 $0xF0;
	s4 =	simm.s32 $0x3  }
0x23: {  	s24 =	simm.s32 $0x168;
	s10 =	simm.s32 $0x2;
	s25 =	simm.s32 $0x1E0  }
0x24: {  	s9 =	simm.s32 $0x4;
	s26 =	simm.s32 $0x258;
	s19 =	simm.s32 $0x780  }
0x25: {  	s18 =	simm.s32 $0x7F8;
	s17 =	simm.s32 $0x870;
	[dreg:$0x1b] =	wrdreg s21  }
0x26: {  	s16 =	simm.s32 $0x8E8;
	s0 =	ssub.s32 s0, s20;
	[dreg:$0x1c] =	wrdreg s22  }
0x27: {  	s15 =	simm.s32 $0x960;
	[dreg:$0x1d] =	wrdreg s23;
	s0 =	smax.u32 s0, $0x1  }
0x28: {  	s14 =	simm.s32 $0x9D8;
	[dreg:$0x1e] =	wrdreg s24;
	p1 =	sne.s32 s0, $0x1  }
.Ltmp0:
0x29: {  	s13 =	simm.s32 $0xA50;
	[dreg:$0x1f] =	wrdreg s25;
	(pc) =	sbr.rel @!p1 .LBB2_3-.Ltmp0, $4  }
0x2a: {  	s12 =	simm.s32 $0xAC8;
	s11 =	simm.s32 $0xB40;
	[smem:$0x7FD] =	sst s26  }
0x2b: {  	s26 =	simm.s32 $0x438;
	s25 =	simm.s32 $0x4B0;
	s24 =	simm.s32 $0x528  }
0x2c: {  	s23 =	simm.s32 $0x5A0;
	s22 =	simm.s32 $0x618;
	s21 =	simm.s32 $0x690  }
0x2d: {  	s20 =	simm.s32 $0x708;
	s1 =	sadd.s32 $0xFFFFFFFF, s0;
	s0 =	rddreg [dreg:$0x3]  }
0x2e: {  	[tilespmem:s2], [sflag:$0x5] =	stream.linear.gather [hbm4b:s0+s2], $0xBB8, $0x38;
	[tilespmem:$0x47B8] =	vst v63  }
0x2f: {  	_ =	swait.ge [sflag:s31], $0xBB8  }
0x30: {  	[sflag:s31] =	ssyncset.done $0x0  }
0x31: {  	[sflag:s31] =	ssyncadd.s32 $0xFFFFF448  }
0x32: {  	[tilespmem:s3], [sflag:$0x1] =	stream.indirect.gather [hbm4b:s6+s8], $0x40, s2, s8, $0xb8;
	[tilespmem:$0x47B8] =	vst v63  }
0x33: {  	_ = 	snop  }
0x34: {  	[tilespmem:s7], [sflag:$0x2] =	stream.indirect.gather [hbm4b:s6+s8], $0x40, s8, s8, $0xb8;
	[tilespmem:$0x47B8] =	vst v63  }
0x35: {  	_ =	swait.ge [sflag:s5], $0x1E00  }
0x36: {  	[sflag:s5] =	ssyncset.done $0x0  }
0x37: {  	s0 =	rddreg [dreg:$0x4];
	[sflag:s5] =	ssyncadd.s32 $0xFFFFE200  }
0x38: {  	[hbm4b:s0+s2] =	stream.linear.scatter [tilespmem:s3], [sflag:$0x3], $0x1E00, $0x38;
	[tilespmem:$0x47B8] =	vst v63  }
0x39: {  	_ =	swait.ge [sflag:s4], $0x1E00  }
0x3a: {  	[sflag:s4] =	ssyncset.done $0x0  }
0x3b: {  	s0 =	rddreg [dreg:$0x1d];
	[sflag:s4] =	ssyncadd.s32 $0xFFFFE200  }
0x3c: {  	[tilespmem:s3], [sflag:$0x1] =	stream.indirect.gather [hbm4b:s6+s8], $0x40, s0, s8, $0xb8;
	[tilespmem:$0x47B8] =	vst v63  }
0x3d: {  	_ =	swait.ge [sflag:s10], $0x1E00  }
0x3e: {  	[sflag:s10] =	ssyncset.done $0x0  }
0x3f: {  	s0 =	rddreg [dreg:$0x5];
	[sflag:s10] =	ssyncadd.s32 $0xFFFFE200  }
0x40: {  	[hbm4b:s0+s2] =	stream.linear.scatter [tilespmem:s7], [sflag:$0x4], $0x1E00, $0x38;
	[tilespmem:$0x47B8] =	vst v63  }
0x41: {  	_ =	swait.ge [sflag:s9], $0x1E00  }
0x42: {  	[sflag:s9] =	ssyncset.done $0x0  }
0x43: {  	s0 =	rddreg [dreg:$0x1e];
	[sflag:s9] =	ssyncadd.s32 $0xFFFFE200  }
0x44: {  	[tilespmem:s7], [sflag:$0x2] =	stream.indirect.gather [hbm4b:s6+s8], $0x40, s0, s8, $0xb8;
	[tilespmem:$0x47B8] =	vst v63  }
0x45: {  	_ =	swait.ge [sflag:s5], $0x1E00  }
0x46: {  	[sflag:s5] =	ssyncset.done $0x0  }
0x47: {  	s0 =	rddreg [dreg:$0x6];
	[sflag:s5] =	ssyncadd.s32 $0xFFFFE200  }
0x48: {  	[hbm4b:s0+s2] =	stream.linear.scatter [tilespmem:s3], [sflag:$0x3], $0x1E00, $0x38;
	[tilespmem:$0x47B8] =	vst v63  }
0x49: {  	_ =	swait.ge [sflag:s4], $0x1E00  }
0x4a: {  	[sflag:s4] =	ssyncset.done $0x0  }
0x4b: {  	s0 =	rddreg [dreg:$0x1f];
	[sflag:s4] =	ssyncadd.s32 $0xFFFFE200  }
0x4c: {  	[tilespmem:s3], [sflag:$0x1] =	stream.indirect.gather [hbm4b:s6+s8], $0x40, s0, s8, $0xb8;
	[tilespmem:$0x47B8] =	vst v63  }
0x4d: {  	_ =	swait.ge [sflag:s10], $0x1E00  }
0x4e: {  	[sflag:s10] =	ssyncset.done $0x0  }
0x4f: {  	s0 =	rddreg [dreg:$0x7];
	[sflag:s10] =	ssyncadd.s32 $0xFFFFE200  }
0x50: {  	[hbm4b:s0+s2] =	stream.linear.scatter [tilespmem:s7], [sflag:$0x4], $0x1E00, $0x38;
	[tilespmem:$0x47B8] =	vst v63  }
0x51: {  	_ =	swait.ge [sflag:s9], $0x1E00  }
0x52: {  	s0 =	sld [smem:$0x7FD]  }
0x53: {  	[sflag:s9] =	ssyncset.done $0x0  }
0x54: {  	[sflag:s9] =	ssyncadd.s32 $0xFFFFE200  }
0x55: {  	[tilespmem:s7], [sflag:$0x2] =	stream.indirect.gather [hbm4b:s6+s8], $0x40, s0, s8, $0xb8;
	[tilespmem:$0x47B8] =	vst v63  }
0x56: {  	_ =	swait.ge [sflag:s5], $0x1E00  }
0x57: {  	[sflag:s5] =	ssyncset.done $0x0  }
0x58: {  	s0 =	rddreg [dreg:$0x8];
	[sflag:s5] =	ssyncadd.s32 $0xFFFFE200  }
0x59: {  	[hbm4b:s0+s2] =	stream.linear.scatter [tilespmem:s3], [sflag:$0x3], $0x1E00, $0x38;
	[tilespmem:$0x47B8] =	vst v63  }
0x5a: {  	_ =	swait.ge [sflag:s4], $0x1E00  }
0x5b: {  	[sflag:s4] =	ssyncset.done $0x0  }
0x5c: {  	[sflag:s4] =	ssyncadd.s32 $0xFFFFE200  }
0x5d: {  	[tilespmem:s3], [sflag:$0x1] =	stream.indirect.gather [hbm4b:s6+s8], $0x40, s30, s8, $0xb8;
	[tilespmem:$0x47B8] =	vst v63  }
0x5e: {  	_ =	swait.ge [sflag:s10], $0x1E00  }
0x5f: {  	[sflag:s10] =	ssyncset.done $0x0  }
0x60: {  	s0 =	rddreg [dreg:$0x9];
	[sflag:s10] =	ssyncadd.s32 $0xFFFFE200  }
0x61: {  	[hbm4b:s0+s2] =	stream.linear.scatter [tilespmem:s7], [sflag:$0x4], $0x1E00, $0x38;
	[tilespmem:$0x47B8] =	vst v63  }
0x62: {  	_ =	swait.ge [sflag:s9], $0x1E00  }
0x63: {  	[sflag:s9] =	ssyncset.done $0x0  }
0x64: {  	[sflag:s9] =	ssyncadd.s32 $0xFFFFE200  }
0x65: {  	[tilespmem:s7], [sflag:$0x2] =	stream.indirect.gather [hbm4b:s6+s8], $0x40, s29, s8, $0xb8;
	[tilespmem:$0x47B8] =	vst v63  }
0x66: {  	_ =	swait.ge [sflag:s5], $0x1E00  }
0x67: {  	[sflag:s5] =	ssyncset.done $0x0  }
0x68: {  	s0 =	rddreg [dreg:$0xa];
	[sflag:s5] =	ssyncadd.s32 $0xFFFFE200  }
0x69: {  	[hbm4b:s0+s2] =	stream.linear.scatter [tilespmem:s3], [sflag:$0x3], $0x1E00, $0x38;
	[tilespmem:$0x47B8] =	vst v63  }
0x6a: {  	_ =	swait.ge [sflag:s4], $0x1E00  }
0x6b: {  	[sflag:s4] =	ssyncset.done $0x0  }
0x6c: {  	[sflag:s4] =	ssyncadd.s32 $0xFFFFE200  }
0x6d: {  	[tilespmem:s3], [sflag:$0x1] =	stream.indirect.gather [hbm4b:s6+s8], $0x40, s28, s8, $0xb8;
	[tilespmem:$0x47B8] =	vst v63  }
0x6e: {  	_ =	swait.ge [sflag:s10], $0x1E00  }
0x6f: {  	[sflag:s10] =	ssyncset.done $0x0  }
0x70: {  	s0 =	rddreg [dreg:$0xb];
	[sflag:s10] =	ssyncadd.s32 $0xFFFFE200  }
0x71: {  	[hbm4b:s0+s2] =	stream.linear.scatter [tilespmem:s7], [sflag:$0x4], $0x1E00, $0x38;
	[tilespmem:$0x47B8] =	vst v63  }
0x72: {  	_ =	swait.ge [sflag:s9], $0x1E00  }
0x73: {  	[sflag:s9] =	ssyncset.done $0x0  }
0x74: {  	[sflag:s9] =	ssyncadd.s32 $0xFFFFE200  }
0x75: {  	[tilespmem:s7], [sflag:$0x2] =	stream.indirect.gather [hbm4b:s6+s8], $0x40, s26, s8, $0xb8;
	[tilespmem:$0x47B8] =	vst v63  }
0x76: {  	_ =	swait.ge [sflag:s5], $0x1E00  }
0x77: {  	[sflag:s5] =	ssyncset.done $0x0  }
0x78: {  	s0 =	rddreg [dreg:$0xc];
	[sflag:s5] =	ssyncadd.s32 $0xFFFFE200  }
0x79: {  	[hbm4b:s0+s2] =	stream.linear.scatter [tilespmem:s3], [sflag:$0x3], $0x1E00, $0x38;
	[tilespmem:$0x47B8] =	vst v63  }
0x7a: {  	_ =	swait.ge [sflag:s4], $0x1E00  }
0x7b: {  	[sflag:s4] =	ssyncset.done $0x0  }
0x7c: {  	[sflag:s4] =	ssyncadd.s32 $0xFFFFE200  }
0x7d: {  	[tilespmem:s3], [sflag:$0x1] =	stream.indirect.gather [hbm4b:s6+s8], $0x40, s25, s8, $0xb8;
	[tilespmem:$0x47B8] =	vst v63  }
0x7e: {  	_ =	swait.ge [sflag:s10], $0x1E00  }
0x7f: {  	[sflag:s10] =	ssyncset.done $0x0  }
0x80: {  	s0 =	rddreg [dreg:$0xd];
	[sflag:s10] =	ssyncadd.s32 $0xFFFFE200  }
0x81: {  	[hbm4b:s0+s2] =	stream.linear.scatter [tilespmem:s7], [sflag:$0x4], $0x1E00, $0x38;
	[tilespmem:$0x47B8] =	vst v63  }
0x82: {  	_ =	swait.ge [sflag:s9], $0x1E00  }
0x83: {  	[sflag:s9] =	ssyncset.done $0x0  }
0x84: {  	[sflag:s9] =	ssyncadd.s32 $0xFFFFE200  }
0x85: {  	[tilespmem:s7], [sflag:$0x2] =	stream.indirect.gather [hbm4b:s6+s8], $0x40, s24, s8, $0xb8;
	[tilespmem:$0x47B8] =	vst v63  }
0x86: {  	_ =	swait.ge [sflag:s5], $0x1E00  }
0x87: {  	[sflag:s5] =	ssyncset.done $0x0  }
0x88: {  	s0 =	rddreg [dreg:$0xe];
	[sflag:s5] =	ssyncadd.s32 $0xFFFFE200  }
0x89: {  	[hbm4b:s0+s2] =	stream.linear.scatter [tilespmem:s3], [sflag:$0x3], $0x1E00, $0x38;
	[tilespmem:$0x47B8] =	vst v63  }
0x8a: {  	_ =	swait.ge [sflag:s4], $0x1E00  }
0x8b: {  	[sflag:s4] =	ssyncset.done $0x0  }
0x8c: {  	[sflag:s4] =	ssyncadd.s32 $0xFFFFE200  }
0x8d: {  	[tilespmem:s3], [sflag:$0x1] =	stream.indirect.gather [hbm4b:s6+s8], $0x40, s23, s8, $0xb8;
	[tilespmem:$0x47B8] =	vst v63  }
0x8e: {  	_ =	swait.ge [sflag:s10], $0x1E00  }
0x8f: {  	[sflag:s10] =	ssyncset.done $0x0  }
0x90: {  	s0 =	rddreg [dreg:$0xf];
	[sflag:s10] =	ssyncadd.s32 $0xFFFFE200  }
0x91: {  	[hbm4b:s0+s2] =	stream.linear.scatter [tilespmem:s7], [sflag:$0x4], $0x1E00, $0x38;
	[tilespmem:$0x47B8] =	vst v63  }
0x92: {  	_ =	swait.ge [sflag:s9], $0x1E00  }
0x93: {  	[sflag:s9] =	ssyncset.done $0x0  }
0x94: {  	[sflag:s9] =	ssyncadd.s32 $0xFFFFE200  }
0x95: {  	[tilespmem:s7], [sflag:$0x2] =	stream.indirect.gather [hbm4b:s6+s8], $0x40, s22, s8, $0xb8;
	[tilespmem:$0x47B8] =	vst v63  }
0x96: {  	_ =	swait.ge [sflag:s5], $0x1E00  }
0x97: {  	[sflag:s5] =	ssyncset.done $0x0  }
0x98: {  	s0 =	rddreg [dreg:$0x10];
	[sflag:s5] =	ssyncadd.s32 $0xFFFFE200  }
0x99: {  	[hbm4b:s0+s2] =	stream.linear.scatter [tilespmem:s3], [sflag:$0x3], $0x1E00, $0x38;
	[tilespmem:$0x47B8] =	vst v63  }
0x9a: {  	_ =	swait.ge [sflag:s4], $0x1E00  }
0x9b: {  	[sflag:s4] =	ssyncset.done $0x0  }
0x9c: {  	[sflag:s4] =	ssyncadd.s32 $0xFFFFE200  }
0x9d: {  	[tilespmem:s3], [sflag:$0x1] =	stream.indirect.gather [hbm4b:s6+s8], $0x40, s21, s8, $0xb8;
	[tilespmem:$0x47B8] =	vst v63  }
0x9e: {  	_ =	swait.ge [sflag:s10], $0x1E00  }
0x9f: {  	[sflag:s10] =	ssyncset.done $0x0  }
0xa0: {  	s0 =	rddreg [dreg:$0x11];
	[sflag:s10] =	ssyncadd.s32 $0xFFFFE200  }
0xa1: {  	[hbm4b:s0+s2] =	stream.linear.scatter [tilespmem:s7], [sflag:$0x4], $0x1E00, $0x38;
	[tilespmem:$0x47B8] =	vst v63  }
0xa2: {  	_ =	swait.ge [sflag:s9], $0x1E00  }
0xa3: {  	[sflag:s9] =	ssyncset.done $0x0  }
0xa4: {  	[sflag:s9] =	ssyncadd.s32 $0xFFFFE200  }
0xa5: {  	[tilespmem:s7], [sflag:$0x2] =	stream.indirect.gather [hbm4b:s6+s8], $0x40, s20, s8, $0xb8;
	[tilespmem:$0x47B8] =	vst v63  }
0xa6: {  	_ =	swait.ge [sflag:s5], $0x1E00  }
0xa7: {  	[sflag:s5] =	ssyncset.done $0x0  }
0xa8: {  	s0 =	rddreg [dreg:$0x12];
	[sflag:s5] =	ssyncadd.s32 $0xFFFFE200  }
0xa9: {  	[hbm4b:s0+s2] =	stream.linear.scatter [tilespmem:s3], [sflag:$0x3], $0x1E00, $0x38;
	[tilespmem:$0x47B8] =	vst v63  }
0xaa: {  	_ =	swait.ge [sflag:s4], $0x1E00  }
0xab: {  	[sflag:s4] =	ssyncset.done $0x0  }
0xac: {  	[sflag:s4] =	ssyncadd.s32 $0xFFFFE200  }
0xad: {  	[tilespmem:s3], [sflag:$0x1] =	stream.indirect.gather [hbm4b:s6+s8], $0x40, s19, s8, $0xb8;
	[tilespmem:$0x47B8] =	vst v63  }
0xae: {  	_ =	swait.ge [sflag:s10], $0x1E00  }
0xaf: {  	[sflag:s10] =	ssyncset.done $0x0  }
0xb0: {  	s0 =	rddreg [dreg:$0x13];
	[sflag:s10] =	ssyncadd.s32 $0xFFFFE200  }
0xb1: {  	[hbm4b:s0+s2] =	stream.linear.scatter [tilespmem:s7], [sflag:$0x4], $0x1E00, $0x38;
	[tilespmem:$0x47B8] =	vst v63  }
0xb2: {  	_ =	swait.ge [sflag:s9], $0x1E00  }
0xb3: {  	[sflag:s9] =	ssyncset.done $0x0  }
0xb4: {  	[sflag:s9] =	ssyncadd.s32 $0xFFFFE200  }
0xb5: {  	[tilespmem:s7], [sflag:$0x2] =	stream.indirect.gather [hbm4b:s6+s8], $0x40, s18, s8, $0xb8;
	[tilespmem:$0x47B8] =	vst v63  }
0xb6: {  	_ =	swait.ge [sflag:s5], $0x1E00  }
0xb7: {  	[sflag:s5] =	ssyncset.done $0x0  }
0xb8: {  	s0 =	rddreg [dreg:$0x14];
	[sflag:s5] =	ssyncadd.s32 $0xFFFFE200  }
0xb9: {  	[hbm4b:s0+s2] =	stream.linear.scatter [tilespmem:s3], [sflag:$0x3], $0x1E00, $0x38;
	[tilespmem:$0x47B8] =	vst v63  }
0xba: {  	_ =	swait.ge [sflag:s4], $0x1E00  }
0xbb: {  	[sflag:s4] =	ssyncset.done $0x0  }
0xbc: {  	[sflag:s4] =	ssyncadd.s32 $0xFFFFE200  }
0xbd: {  	[tilespmem:s3], [sflag:$0x1] =	stream.indirect.gather [hbm4b:s6+s8], $0x40, s17, s8, $0xb8;
	[tilespmem:$0x47B8] =	vst v63  }
0xbe: {  	_ =	swait.ge [sflag:s10], $0x1E00  }
0xbf: {  	[sflag:s10] =	ssyncset.done $0x0  }
0xc0: {  	s0 =	rddreg [dreg:$0x15];
	[sflag:s10] =	ssyncadd.s32 $0xFFFFE200  }
0xc1: {  	[hbm4b:s0+s2] =	stream.linear.scatter [tilespmem:s7], [sflag:$0x4], $0x1E00, $0x38;
	[tilespmem:$0x47B8] =	vst v63  }
0xc2: {  	_ =	swait.ge [sflag:s9], $0x1E00  }
0xc3: {  	[sflag:s9] =	ssyncset.done $0x0  }
0xc4: {  	[sflag:s9] =	ssyncadd.s32 $0xFFFFE200  }
0xc5: {  	[tilespmem:s7], [sflag:$0x2] =	stream.indirect.gather [hbm4b:s6+s8], $0x40, s16, s8, $0xb8;
	[tilespmem:$0x47B8] =	vst v63  }
0xc6: {  	_ =	swait.ge [sflag:s5], $0x1E00  }
0xc7: {  	[sflag:s5] =	ssyncset.done $0x0  }
0xc8: {  	s0 =	rddreg [dreg:$0x16];
	[sflag:s5] =	ssyncadd.s32 $0xFFFFE200  }
0xc9: {  	[hbm4b:s0+s2] =	stream.linear.scatter [tilespmem:s3], [sflag:$0x3], $0x1E00, $0x38;
	[tilespmem:$0x47B8] =	vst v63  }
0xca: {  	_ =	swait.ge [sflag:s4], $0x1E00  }
0xcb: {  	[sflag:s4] =	ssyncset.done $0x0  }
0xcc: {  	[sflag:s4] =	ssyncadd.s32 $0xFFFFE200  }
0xcd: {  	[tilespmem:s3], [sflag:$0x1] =	stream.indirect.gather [hbm4b:s6+s8], $0x40, s15, s8, $0xb8;
	[tilespmem:$0x47B8] =	vst v63  }
0xce: {  	_ =	swait.ge [sflag:s10], $0x1E00  }
0xcf: {  	[sflag:s10] =	ssyncset.done $0x0  }
0xd0: {  	s0 =	rddreg [dreg:$0x17];
	[sflag:s10] =	ssyncadd.s32 $0xFFFFE200  }
0xd1: {  	[hbm4b:s0+s2] =	stream.linear.scatter [tilespmem:s7], [sflag:$0x4], $0x1E00, $0x38;
	[tilespmem:$0x47B8] =	vst v63  }
0xd2: {  	_ =	swait.ge [sflag:s9], $0x1E00  }
0xd3: {  	[sflag:s9] =	ssyncset.done $0x0  }
0xd4: {  	[sflag:s9] =	ssyncadd.s32 $0xFFFFE200  }
0xd5: {  	[tilespmem:s7], [sflag:$0x2] =	stream.indirect.gather [hbm4b:s6+s8], $0x40, s14, s8, $0xb8;
	[tilespmem:$0x47B8] =	vst v63  }
0xd6: {  	_ =	swait.ge [sflag:s5], $0x1E00  }
0xd7: {  	[sflag:s5] =	ssyncset.done $0x0  }
0xd8: {  	s0 =	rddreg [dreg:$0x18];
	[sflag:s5] =	ssyncadd.s32 $0xFFFFE200  }
0xd9: {  	[hbm4b:s0+s2] =	stream.linear.scatter [tilespmem:s3], [sflag:$0x3], $0x1E00, $0x38;
	[tilespmem:$0x47B8] =	vst v63  }
0xda: {  	_ =	swait.ge [sflag:s4], $0x1E00  }
0xdb: {  	[sflag:s4] =	ssyncset.done $0x0  }
0xdc: {  	[sflag:s4] =	ssyncadd.s32 $0xFFFFE200  }
0xdd: {  	[tilespmem:s3], [sflag:$0x1] =	stream.indirect.gather [hbm4b:s6+s8], $0x40, s13, s8, $0xb8;
	[tilespmem:$0x47B8] =	vst v63  }
0xde: {  	_ =	swait.ge [sflag:s10], $0x1E00  }
0xdf: {  	[sflag:s10] =	ssyncset.done $0x0  }
0xe0: {  	s0 =	rddreg [dreg:$0x19];
	[sflag:s10] =	ssyncadd.s32 $0xFFFFE200  }
0xe1: {  	[hbm4b:s0+s2] =	stream.linear.scatter [tilespmem:s7], [sflag:$0x4], $0x1E00, $0x38;
	[tilespmem:$0x47B8] =	vst v63  }
0xe2: {  	_ =	swait.ge [sflag:s9], $0x1E00  }
0xe3: {  	[sflag:s9] =	ssyncset.done $0x0  }
0xe4: {  	[sflag:s9] =	ssyncadd.s32 $0xFFFFE200  }
0xe5: {  	[tilespmem:s7], [sflag:$0x2] =	stream.indirect.gather [hbm4b:s6+s8], $0x40, s12, s8, $0xb8;
	[tilespmem:$0x47B8] =	vst v63  }
0xe6: {  	_ =	swait.ge [sflag:s5], $0x1E00  }
0xe7: {  	[sflag:s5] =	ssyncset.done $0x0  }
0xe8: {  	s0 =	rddreg [dreg:$0x1a];
	[sflag:s5] =	ssyncadd.s32 $0xFFFFE200  }
0xe9: {  	[hbm4b:s0+s2] =	stream.linear.scatter [tilespmem:s3], [sflag:$0x3], $0x1E00, $0x38;
	[tilespmem:$0x47B8] =	vst v63  }
0xea: {  	_ =	swait.ge [sflag:s4], $0x1E00  }
0xeb: {  	[sflag:s4] =	ssyncset.done $0x0  }
0xec: {  	[sflag:s4] =	ssyncadd.s32 $0xFFFFE200  }
0xed: {  	[tilespmem:s3], [sflag:$0x1] =	stream.indirect.gather [hbm4b:s6+s8], $0x40, s11, s8, $0xb8;
	[tilespmem:$0x47B8] =	vst v63  }
0xee: {  	_ =	swait.ge [sflag:s10], $0x1E00  }
0xef: {  	[sflag:s10] =	ssyncset.done $0x0  }
0xf0: {  	s0 =	rddreg [dreg:$0x1b];
	[sflag:s10] =	ssyncadd.s32 $0xFFFFE200  }
0xf1: {  	[hbm4b:s0+s2] =	stream.linear.scatter [tilespmem:s7], [sflag:$0x4], $0x1E00, $0x38;
	[tilespmem:$0x47B8] =	vst v63  }
0xf2: {  	_ =	swait.ge [sflag:s9], $0x1E00  }
0xf3: {  	[sflag:s9] =	ssyncset.done $0x0  }
0xf4: {  	[sflag:s9] =	ssyncadd.s32 $0xFFFFE200  }
0xf5: {  	p1 =	sne.s32 s1, $0x1;
	_ =	swait.ge [sflag:s5], $0x1E00  }
.Ltmp1:
0xf6: {  	[sflag:s5] =	ssyncset.done $0x0;
	(pc) =	sbr.rel @!p1 .LBB2_3-.Ltmp1, $4  }
0xf7: {  	s0 =	rddreg [dreg:$0x1c];
	[sflag:s5] =	ssyncadd.s32 $0xFFFFE200  }
0xf8: {  	[hbm4b:s0+s2] =	stream.linear.scatter [tilespmem:s3], [sflag:$0x3], $0x1E00, $0x38;
	[tilespmem:$0x47B8] =	vst v63  }
0xf9: {  	s1 =	sadd.s32 $0xFFFFFFFF, s1;
	_ =	swait.ge [sflag:s4], $0x1E00  }
0xfa: {  	p0 =	por $0x1, $0x1;
	s0 =	rddreg [dreg:$0x3];
	[sflag:s4] =	ssyncset.done $0x0  }
.LBB2_2:
0xfb: {  	[sflag:s4] =	ssyncadd.s32 $0xFFFFE200  }
0xfc: {  	[tilespmem:s2], [sflag:$0x5] =	stream.linear.gather [hbm4b:s0+s2], $0xBB8, $0x38;
	[tilespmem:$0x47B8] =	vst v63  }
0xfd: {  	_ =	swait.ge [sflag:s31], $0xBB8  }
0xfe: {  	[sflag:s31] =	ssyncset.done $0x0  }
0xff: {  	[sflag:s31] =	ssyncadd.s32 $0xFFFFF448  }
0x100: {  	[tilespmem:s3], [sflag:$0x1] =	stream.indirect.gather [hbm4b:s6+s8], $0x40, s2, s8, $0xb8;
	[tilespmem:$0x47B8] =	vst v63  }
0x101: {  	_ = 	snop  }
0x102: {  	[tilespmem:s7], [sflag:$0x2] =	stream.indirect.gather [hbm4b:s6+s8], $0x40, s8, s8, $0xb8;
	[tilespmem:$0x47B8] =	vst v63  }
0x103: {  	_ =	swait.ge [sflag:s5], $0x1E00  }
0x104: {  	[sflag:s5] =	ssyncset.done $0x0  }
0x105: {  	s0 =	rddreg [dreg:$0x4];
	[sflag:s5] =	ssyncadd.s32 $0xFFFFE200  }
0x106: {  	[hbm4b:s0+s2] =	stream.linear.scatter [tilespmem:s3], [sflag:$0x3], $0x1E00, $0x38;
	[tilespmem:$0x47B8] =	vst v63  }
0x107: {  	_ =	swait.ge [sflag:s4], $0x1E00  }
0x108: {  	[sflag:s4] =	ssyncset.done $0x0  }
0x109: {  	s0 =	rddreg [dreg:$0x1d];
	[sflag:s4] =	ssyncadd.s32 $0xFFFFE200  }
0x10a: {  	[tilespmem:s3], [sflag:$0x1] =	stream.indirect.gather [hbm4b:s6+s8], $0x40, s0, s8, $0xb8;
	[tilespmem:$0x47B8] =	vst v63  }
0x10b: {  	_ =	swait.ge [sflag:s10], $0x1E00  }
0x10c: {  	[sflag:s10] =	ssyncset.done $0x0  }
0x10d: {  	s0 =	rddreg [dreg:$0x5];
	[sflag:s10] =	ssyncadd.s32 $0xFFFFE200  }
0x10e: {  	[hbm4b:s0+s2] =	stream.linear.scatter [tilespmem:s7], [sflag:$0x4], $0x1E00, $0x38;
	[tilespmem:$0x47B8] =	vst v63  }
0x10f: {  	_ =	swait.ge [sflag:s9], $0x1E00  }
0x110: {  	[sflag:s9] =	ssyncset.done $0x0  }
0x111: {  	s0 =	rddreg [dreg:$0x1e];
	[sflag:s9] =	ssyncadd.s32 $0xFFFFE200  }
0x112: {  	[tilespmem:s7], [sflag:$0x2] =	stream.indirect.gather [hbm4b:s6+s8], $0x40, s0, s8, $0xb8;
	[tilespmem:$0x47B8] =	vst v63  }
0x113: {  	_ =	swait.ge [sflag:s5], $0x1E00  }
0x114: {  	[sflag:s5] =	ssyncset.done $0x0  }
0x115: {  	s0 =	rddreg [dreg:$0x6];
	[sflag:s5] =	ssyncadd.s32 $0xFFFFE200  }
0x116: {  	[hbm4b:s0+s2] =	stream.linear.scatter [tilespmem:s3], [sflag:$0x3], $0x1E00, $0x38;
	[tilespmem:$0x47B8] =	vst v63  }
0x117: {  	_ =	swait.ge [sflag:s4], $0x1E00  }
0x118: {  	[sflag:s4] =	ssyncset.done $0x0  }
0x119: {  	s0 =	rddreg [dreg:$0x1f];
	[sflag:s4] =	ssyncadd.s32 $0xFFFFE200  }
0x11a: {  	[tilespmem:s3], [sflag:$0x1] =	stream.indirect.gather [hbm4b:s6+s8], $0x40, s0, s8, $0xb8;
	[tilespmem:$0x47B8] =	vst v63  }
0x11b: {  	_ =	swait.ge [sflag:s10], $0x1E00  }
0x11c: {  	[sflag:s10] =	ssyncset.done $0x0  }
0x11d: {  	s0 =	rddreg [dreg:$0x7];
	[sflag:s10] =	ssyncadd.s32 $0xFFFFE200  }
0x11e: {  	[hbm4b:s0+s2] =	stream.linear.scatter [tilespmem:s7], [sflag:$0x4], $0x1E00, $0x38;
	[tilespmem:$0x47B8] =	vst v63  }
0x11f: {  	_ =	swait.ge [sflag:s9], $0x1E00  }
0x120: {  	s0 =	sld [smem:$0x7FD]  }
0x121: {  	[sflag:s9] =	ssyncset.done $0x0  }
0x122: {  	[sflag:s9] =	ssyncadd.s32 $0xFFFFE200  }
0x123: {  	[tilespmem:s7], [sflag:$0x2] =	stream.indirect.gather [hbm4b:s6+s8], $0x40, s0, s8, $0xb8;
	[tilespmem:$0x47B8] =	vst v63  }
0x124: {  	_ =	swait.ge [sflag:s5], $0x1E00  }
0x125: {  	[sflag:s5] =	ssyncset.done $0x0  }
0x126: {  	s0 =	rddreg [dreg:$0x8];
	[sflag:s5] =	ssyncadd.s32 $0xFFFFE200  }
0x127: {  	[hbm4b:s0+s2] =	stream.linear.scatter [tilespmem:s3], [sflag:$0x3], $0x1E00, $0x38;
	[tilespmem:$0x47B8] =	vst v63  }
0x128: {  	_ =	swait.ge [sflag:s4], $0x1E00  }
0x129: {  	[sflag:s4] =	ssyncset.done $0x0  }
0x12a: {  	[sflag:s4] =	ssyncadd.s32 $0xFFFFE200  }
0x12b: {  	[tilespmem:s3], [sflag:$0x1] =	stream.indirect.gather [hbm4b:s6+s8], $0x40, s30, s8, $0xb8;
	[tilespmem:$0x47B8] =	vst v63  }
0x12c: {  	_ =	swait.ge [sflag:s10], $0x1E00  }
0x12d: {  	[sflag:s10] =	ssyncset.done $0x0  }
0x12e: {  	s0 =	rddreg [dreg:$0x9];
	[sflag:s10] =	ssyncadd.s32 $0xFFFFE200  }
0x12f: {  	[hbm4b:s0+s2] =	stream.linear.scatter [tilespmem:s7], [sflag:$0x4], $0x1E00, $0x38;
	[tilespmem:$0x47B8] =	vst v63  }
0x130: {  	_ =	swait.ge [sflag:s9], $0x1E00  }
0x131: {  	[sflag:s9] =	ssyncset.done $0x0  }
0x132: {  	[sflag:s9] =	ssyncadd.s32 $0xFFFFE200  }
0x133: {  	[tilespmem:s7], [sflag:$0x2] =	stream.indirect.gather [hbm4b:s6+s8], $0x40, s29, s8, $0xb8;
	[tilespmem:$0x47B8] =	vst v63  }
0x134: {  	_ =	swait.ge [sflag:s5], $0x1E00  }
0x135: {  	[sflag:s5] =	ssyncset.done $0x0  }
0x136: {  	s0 =	rddreg [dreg:$0xa];
	[sflag:s5] =	ssyncadd.s32 $0xFFFFE200  }
0x137: {  	[hbm4b:s0+s2] =	stream.linear.scatter [tilespmem:s3], [sflag:$0x3], $0x1E00, $0x38;
	[tilespmem:$0x47B8] =	vst v63  }
0x138: {  	_ =	swait.ge [sflag:s4], $0x1E00  }
0x139: {  	[sflag:s4] =	ssyncset.done $0x0  }
0x13a: {  	[sflag:s4] =	ssyncadd.s32 $0xFFFFE200  }
0x13b: {  	[tilespmem:s3], [sflag:$0x1] =	stream.indirect.gather [hbm4b:s6+s8], $0x40, s28, s8, $0xb8;
	[tilespmem:$0x47B8] =	vst v63  }
0x13c: {  	_ =	swait.ge [sflag:s10], $0x1E00  }
0x13d: {  	[sflag:s10] =	ssyncset.done $0x0  }
0x13e: {  	s0 =	rddreg [dreg:$0xb];
	[sflag:s10] =	ssyncadd.s32 $0xFFFFE200  }
0x13f: {  	[hbm4b:s0+s2] =	stream.linear.scatter [tilespmem:s7], [sflag:$0x4], $0x1E00, $0x38;
	[tilespmem:$0x47B8] =	vst v63  }
0x140: {  	_ =	swait.ge [sflag:s9], $0x1E00  }
0x141: {  	[sflag:s9] =	ssyncset.done $0x0  }
0x142: {  	[sflag:s9] =	ssyncadd.s32 $0xFFFFE200  }
0x143: {  	[tilespmem:s7], [sflag:$0x2] =	stream.indirect.gather [hbm4b:s6+s8], $0x40, s26, s8, $0xb8;
	[tilespmem:$0x47B8] =	vst v63  }
0x144: {  	_ =	swait.ge [sflag:s5], $0x1E00  }
0x145: {  	[sflag:s5] =	ssyncset.done $0x0  }
0x146: {  	s0 =	rddreg [dreg:$0xc];
	[sflag:s5] =	ssyncadd.s32 $0xFFFFE200  }
0x147: {  	[hbm4b:s0+s2] =	stream.linear.scatter [tilespmem:s3], [sflag:$0x3], $0x1E00, $0x38;
	[tilespmem:$0x47B8] =	vst v63  }
0x148: {  	_ =	swait.ge [sflag:s4], $0x1E00  }
0x149: {  	[sflag:s4] =	ssyncset.done $0x0  }
0x14a: {  	[sflag:s4] =	ssyncadd.s32 $0xFFFFE200  }
0x14b: {  	[tilespmem:s3], [sflag:$0x1] =	stream.indirect.gather [hbm4b:s6+s8], $0x40, s25, s8, $0xb8;
	[tilespmem:$0x47B8] =	vst v63  }
0x14c: {  	_ =	swait.ge [sflag:s10], $0x1E00  }
0x14d: {  	[sflag:s10] =	ssyncset.done $0x0  }
0x14e: {  	s0 =	rddreg [dreg:$0xd];
	[sflag:s10] =	ssyncadd.s32 $0xFFFFE200  }
0x14f: {  	[hbm4b:s0+s2] =	stream.linear.scatter [tilespmem:s7], [sflag:$0x4], $0x1E00, $0x38;
	[tilespmem:$0x47B8] =	vst v63  }
0x150: {  	_ =	swait.ge [sflag:s9], $0x1E00  }
0x151: {  	[sflag:s9] =	ssyncset.done $0x0  }
0x152: {  	[sflag:s9] =	ssyncadd.s32 $0xFFFFE200  }
0x153: {  	[tilespmem:s7], [sflag:$0x2] =	stream.indirect.gather [hbm4b:s6+s8], $0x40, s24, s8, $0xb8;
	[tilespmem:$0x47B8] =	vst v63  }
0x154: {  	_ =	swait.ge [sflag:s5], $0x1E00  }
0x155: {  	[sflag:s5] =	ssyncset.done $0x0  }
0x156: {  	s0 =	rddreg [dreg:$0xe];
	[sflag:s5] =	ssyncadd.s32 $0xFFFFE200  }
0x157: {  	[hbm4b:s0+s2] =	stream.linear.scatter [tilespmem:s3], [sflag:$0x3], $0x1E00, $0x38;
	[tilespmem:$0x47B8] =	vst v63  }
0x158: {  	_ =	swait.ge [sflag:s4], $0x1E00  }
0x159: {  	[sflag:s4] =	ssyncset.done $0x0  }
0x15a: {  	[sflag:s4] =	ssyncadd.s32 $0xFFFFE200  }
0x15b: {  	[tilespmem:s3], [sflag:$0x1] =	stream.indirect.gather [hbm4b:s6+s8], $0x40, s23, s8, $0xb8;
	[tilespmem:$0x47B8] =	vst v63  }
0x15c: {  	_ =	swait.ge [sflag:s10], $0x1E00  }
0x15d: {  	[sflag:s10] =	ssyncset.done $0x0  }
0x15e: {  	s0 =	rddreg [dreg:$0xf];
	[sflag:s10] =	ssyncadd.s32 $0xFFFFE200  }
0x15f: {  	[hbm4b:s0+s2] =	stream.linear.scatter [tilespmem:s7], [sflag:$0x4], $0x1E00, $0x38;
	[tilespmem:$0x47B8] =	vst v63  }
0x160: {  	_ =	swait.ge [sflag:s9], $0x1E00  }
0x161: {  	[sflag:s9] =	ssyncset.done $0x0  }
0x162: {  	[sflag:s9] =	ssyncadd.s32 $0xFFFFE200  }
0x163: {  	[tilespmem:s7], [sflag:$0x2] =	stream.indirect.gather [hbm4b:s6+s8], $0x40, s22, s8, $0xb8;
	[tilespmem:$0x47B8] =	vst v63  }
0x164: {  	_ =	swait.ge [sflag:s5], $0x1E00  }
0x165: {  	[sflag:s5] =	ssyncset.done $0x0  }
0x166: {  	s0 =	rddreg [dreg:$0x10];
	[sflag:s5] =	ssyncadd.s32 $0xFFFFE200  }
0x167: {  	[hbm4b:s0+s2] =	stream.linear.scatter [tilespmem:s3], [sflag:$0x3], $0x1E00, $0x38;
	[tilespmem:$0x47B8] =	vst v63  }
0x168: {  	_ =	swait.ge [sflag:s4], $0x1E00  }
0x169: {  	[sflag:s4] =	ssyncset.done $0x0  }
0x16a: {  	[sflag:s4] =	ssyncadd.s32 $0xFFFFE200  }
0x16b: {  	[tilespmem:s3], [sflag:$0x1] =	stream.indirect.gather [hbm4b:s6+s8], $0x40, s21, s8, $0xb8;
	[tilespmem:$0x47B8] =	vst v63  }
0x16c: {  	_ =	swait.ge [sflag:s10], $0x1E00  }
0x16d: {  	[sflag:s10] =	ssyncset.done $0x0  }
0x16e: {  	s0 =	rddreg [dreg:$0x11];
	[sflag:s10] =	ssyncadd.s32 $0xFFFFE200  }
0x16f: {  	[hbm4b:s0+s2] =	stream.linear.scatter [tilespmem:s7], [sflag:$0x4], $0x1E00, $0x38;
	[tilespmem:$0x47B8] =	vst v63  }
0x170: {  	_ =	swait.ge [sflag:s9], $0x1E00  }
0x171: {  	[sflag:s9] =	ssyncset.done $0x0  }
0x172: {  	[sflag:s9] =	ssyncadd.s32 $0xFFFFE200  }
0x173: {  	[tilespmem:s7], [sflag:$0x2] =	stream.indirect.gather [hbm4b:s6+s8], $0x40, s20, s8, $0xb8;
	[tilespmem:$0x47B8] =	vst v63  }
0x174: {  	_ =	swait.ge [sflag:s5], $0x1E00  }
0x175: {  	[sflag:s5] =	ssyncset.done $0x0  }
0x176: {  	s0 =	rddreg [dreg:$0x12];
	[sflag:s5] =	ssyncadd.s32 $0xFFFFE200  }
0x177: {  	[hbm4b:s0+s2] =	stream.linear.scatter [tilespmem:s3], [sflag:$0x3], $0x1E00, $0x38;
	[tilespmem:$0x47B8] =	vst v63  }
0x178: {  	_ =	swait.ge [sflag:s4], $0x1E00  }
0x179: {  	[sflag:s4] =	ssyncset.done $0x0  }
0x17a: {  	[sflag:s4] =	ssyncadd.s32 $0xFFFFE200  }
0x17b: {  	[tilespmem:s3], [sflag:$0x1] =	stream.indirect.gather [hbm4b:s6+s8], $0x40, s19, s8, $0xb8;
	[tilespmem:$0x47B8] =	vst v63  }
0x17c: {  	_ =	swait.ge [sflag:s10], $0x1E00  }
0x17d: {  	[sflag:s10] =	ssyncset.done $0x0  }
0x17e: {  	s0 =	rddreg [dreg:$0x13];
	[sflag:s10] =	ssyncadd.s32 $0xFFFFE200  }
0x17f: {  	[hbm4b:s0+s2] =	stream.linear.scatter [tilespmem:s7], [sflag:$0x4], $0x1E00, $0x38;
	[tilespmem:$0x47B8] =	vst v63  }
0x180: {  	_ =	swait.ge [sflag:s9], $0x1E00  }
0x181: {  	[sflag:s9] =	ssyncset.done $0x0  }
0x182: {  	[sflag:s9] =	ssyncadd.s32 $0xFFFFE200  }
0x183: {  	[tilespmem:s7], [sflag:$0x2] =	stream.indirect.gather [hbm4b:s6+s8], $0x40, s18, s8, $0xb8;
	[tilespmem:$0x47B8] =	vst v63  }
0x184: {  	_ =	swait.ge [sflag:s5], $0x1E00  }
0x185: {  	[sflag:s5] =	ssyncset.done $0x0  }
0x186: {  	s0 =	rddreg [dreg:$0x14];
	[sflag:s5] =	ssyncadd.s32 $0xFFFFE200  }
0x187: {  	[hbm4b:s0+s2] =	stream.linear.scatter [tilespmem:s3], [sflag:$0x3], $0x1E00, $0x38;
	[tilespmem:$0x47B8] =	vst v63  }
0x188: {  	_ =	swait.ge [sflag:s4], $0x1E00  }
0x189: {  	[sflag:s4] =	ssyncset.done $0x0  }
0x18a: {  	[sflag:s4] =	ssyncadd.s32 $0xFFFFE200  }
0x18b: {  	[tilespmem:s3], [sflag:$0x1] =	stream.indirect.gather [hbm4b:s6+s8], $0x40, s17, s8, $0xb8;
	[tilespmem:$0x47B8] =	vst v63  }
0x18c: {  	_ =	swait.ge [sflag:s10], $0x1E00  }
0x18d: {  	[sflag:s10] =	ssyncset.done $0x0  }
0x18e: {  	s0 =	rddreg [dreg:$0x15];
	[sflag:s10] =	ssyncadd.s32 $0xFFFFE200  }
0x18f: {  	[hbm4b:s0+s2] =	stream.linear.scatter [tilespmem:s7], [sflag:$0x4], $0x1E00, $0x38;
	[tilespmem:$0x47B8] =	vst v63  }
0x190: {  	_ =	swait.ge [sflag:s9], $0x1E00  }
0x191: {  	[sflag:s9] =	ssyncset.done $0x0  }
0x192: {  	[sflag:s9] =	ssyncadd.s32 $0xFFFFE200  }
0x193: {  	[tilespmem:s7], [sflag:$0x2] =	stream.indirect.gather [hbm4b:s6+s8], $0x40, s16, s8, $0xb8;
	[tilespmem:$0x47B8] =	vst v63  }
0x194: {  	_ =	swait.ge [sflag:s5], $0x1E00  }
0x195: {  	[sflag:s5] =	ssyncset.done $0x0  }
0x196: {  	s0 =	rddreg [dreg:$0x16];
	[sflag:s5] =	ssyncadd.s32 $0xFFFFE200  }
0x197: {  	[hbm4b:s0+s2] =	stream.linear.scatter [tilespmem:s3], [sflag:$0x3], $0x1E00, $0x38;
	[tilespmem:$0x47B8] =	vst v63  }
0x198: {  	_ =	swait.ge [sflag:s4], $0x1E00  }
0x199: {  	[sflag:s4] =	ssyncset.done $0x0  }
0x19a: {  	[sflag:s4] =	ssyncadd.s32 $0xFFFFE200  }
0x19b: {  	[tilespmem:s3], [sflag:$0x1] =	stream.indirect.gather [hbm4b:s6+s8], $0x40, s15, s8, $0xb8;
	[tilespmem:$0x47B8] =	vst v63  }
0x19c: {  	_ =	swait.ge [sflag:s10], $0x1E00  }
0x19d: {  	[sflag:s10] =	ssyncset.done $0x0  }
0x19e: {  	s0 =	rddreg [dreg:$0x17];
	[sflag:s10] =	ssyncadd.s32 $0xFFFFE200  }
0x19f: {  	[hbm4b:s0+s2] =	stream.linear.scatter [tilespmem:s7], [sflag:$0x4], $0x1E00, $0x38;
	[tilespmem:$0x47B8] =	vst v63  }
0x1a0: {  	_ =	swait.ge [sflag:s9], $0x1E00  }
0x1a1: {  	[sflag:s9] =	ssyncset.done $0x0  }
0x1a2: {  	[sflag:s9] =	ssyncadd.s32 $0xFFFFE200  }
0x1a3: {  	[tilespmem:s7], [sflag:$0x2] =	stream.indirect.gather [hbm4b:s6+s8], $0x40, s14, s8, $0xb8;
	[tilespmem:$0x47B8] =	vst v63  }
0x1a4: {  	_ =	swait.ge [sflag:s5], $0x1E00  }
0x1a5: {  	[sflag:s5] =	ssyncset.done $0x0  }
0x1a6: {  	s0 =	rddreg [dreg:$0x18];
	[sflag:s5] =	ssyncadd.s32 $0xFFFFE200  }
0x1a7: {  	[hbm4b:s0+s2] =	stream.linear.scatter [tilespmem:s3], [sflag:$0x3], $0x1E00, $0x38;
	[tilespmem:$0x47B8] =	vst v63  }
0x1a8: {  	_ =	swait.ge [sflag:s4], $0x1E00  }
0x1a9: {  	[sflag:s4] =	ssyncset.done $0x0  }
0x1aa: {  	[sflag:s4] =	ssyncadd.s32 $0xFFFFE200  }
0x1ab: {  	[tilespmem:s3], [sflag:$0x1] =	stream.indirect.gather [hbm4b:s6+s8], $0x40, s13, s8, $0xb8;
	[tilespmem:$0x47B8] =	vst v63  }
0x1ac: {  	_ =	swait.ge [sflag:s10], $0x1E00  }
0x1ad: {  	[sflag:s10] =	ssyncset.done $0x0  }
0x1ae: {  	s0 =	rddreg [dreg:$0x19];
	[sflag:s10] =	ssyncadd.s32 $0xFFFFE200  }
0x1af: {  	[hbm4b:s0+s2] =	stream.linear.scatter [tilespmem:s7], [sflag:$0x4], $0x1E00, $0x38;
	[tilespmem:$0x47B8] =	vst v63  }
0x1b0: {  	_ =	swait.ge [sflag:s9], $0x1E00  }
0x1b1: {  	[sflag:s9] =	ssyncset.done $0x0  }
0x1b2: {  	[sflag:s9] =	ssyncadd.s32 $0xFFFFE200  }
0x1b3: {  	[tilespmem:s7], [sflag:$0x2] =	stream.indirect.gather [hbm4b:s6+s8], $0x40, s12, s8, $0xb8;
	[tilespmem:$0x47B8] =	vst v63  }
0x1b4: {  	_ =	swait.ge [sflag:s5], $0x1E00  }
0x1b5: {  	[sflag:s5] =	ssyncset.done $0x0  }
0x1b6: {  	s0 =	rddreg [dreg:$0x1a];
	[sflag:s5] =	ssyncadd.s32 $0xFFFFE200  }
0x1b7: {  	[hbm4b:s0+s2] =	stream.linear.scatter [tilespmem:s3], [sflag:$0x3], $0x1E00, $0x38;
	[tilespmem:$0x47B8] =	vst v63  }
0x1b8: {  	_ =	swait.ge [sflag:s4], $0x1E00  }
0x1b9: {  	[sflag:s4] =	ssyncset.done $0x0  }
0x1ba: {  	[sflag:s4] =	ssyncadd.s32 $0xFFFFE200  }
0x1bb: {  	[tilespmem:s3], [sflag:$0x1] =	stream.indirect.gather [hbm4b:s6+s8], $0x40, s11, s8, $0xb8;
	[tilespmem:$0x47B8] =	vst v63  }
0x1bc: {  	_ =	swait.ge [sflag:s10], $0x1E00  }
0x1bd: {  	[sflag:s10] =	ssyncset.done $0x0  }
0x1be: {  	s0 =	rddreg [dreg:$0x1b];
	[sflag:s10] =	ssyncadd.s32 $0xFFFFE200  }
0x1bf: {  	[hbm4b:s0+s2] =	stream.linear.scatter [tilespmem:s7], [sflag:$0x4], $0x1E00, $0x38;
	[tilespmem:$0x47B8] =	vst v63  }
0x1c0: {  	_ =	swait.ge [sflag:s9], $0x1E00  }
0x1c1: {  	[sflag:s9] =	ssyncset.done $0x0  }
0x1c2: {  	[sflag:s9] =	ssyncadd.s32 $0xFFFFE200  }
0x1c3: {  	p1 =	sne.s32 s1, $0x1;
	_ =	swait.ge [sflag:s5], $0x1E00  }
.Ltmp2:
0x1c4: {  	[sflag:s5] =	ssyncset.done $0x0;
	(pc) =	sbr.rel @p1 .LBB2_2-.Ltmp2, $4  }
0x1c5: {  	s0 =	rddreg [dreg:$0x1c];
	[sflag:s5] =	ssyncadd.s32 $0xFFFFE200  }
0x1c6: {  	[hbm4b:s0+s2] =	stream.linear.scatter [tilespmem:s3], [sflag:$0x3], $0x1E00, $0x38;
	[tilespmem:$0x47B8] =	vst v63  }
0x1c7: {  	_ =	swait.ge [sflag:s4], $0x1E00  }
0x1c8: {  	s1 =	sadd.s32 $0xFFFFFFFF, s1;
	s0 =	rddreg [dreg:$0x3];
	[sflag:s4] =	ssyncset.done $0x0  }
.LBB2_3:
0x1c9: {  	[sflag:s4] =	ssyncadd.s32 @p0 $0xFFFFE200  }
0x1ca: {  	[tilespmem:s2], [sflag:$0x5] =	stream.linear.gather [hbm4b:s0+s2], $0xBB8, $0x38;
	[tilespmem:$0x47B8] =	vst v63  }
0x1cb: {  	_ =	swait.ge [sflag:s31], $0xBB8  }
0x1cc: {  	[sflag:s31] =	ssyncset.done $0x0  }
0x1cd: {  	[sflag:s31] =	ssyncadd.s32 $0xFFFFF448  }
0x1ce: {  	[tilespmem:s3], [sflag:$0x1] =	stream.indirect.gather [hbm4b:s6+s8], $0x40, s2, s8, $0xb8;
	[tilespmem:$0x47B8] =	vst v63  }
0x1cf: {  	_ = 	snop  }
0x1d0: {  	[tilespmem:s7], [sflag:$0x2] =	stream.indirect.gather [hbm4b:s6+s8], $0x40, s8, s8, $0xb8;
	[tilespmem:$0x47B8] =	vst v63  }
0x1d1: {  	_ =	swait.ge [sflag:s5], $0x1E00  }
0x1d2: {  	[sflag:s5] =	ssyncset.done $0x0  }
0x1d3: {  	s31 =	rddreg [dreg:$0x4];
	[sflag:s5] =	ssyncadd.s32 $0xFFFFE200  }
0x1d4: {  	[hbm4b:s31+s2] =	stream.linear.scatter [tilespmem:s3], [sflag:$0x3], $0x1E00, $0x38;
	[tilespmem:$0x47B8] =	vst v63  }
0x1d5: {  	_ =	swait.ge [sflag:s4], $0x1E00  }
0x1d6: {  	[sflag:s4] =	ssyncset.done $0x0  }
0x1d7: {  	s1 =	rddreg [dreg:$0x1d];
	[sflag:s4] =	ssyncadd.s32 $0xFFFFE200  }
0x1d8: {  	[tilespmem:s3], [sflag:$0x1] =	stream.indirect.gather [hbm4b:s6+s8], $0x40, s1, s8, $0xb8;
	[tilespmem:$0x47B8] =	vst v63  }
0x1d9: {  	_ =	swait.ge [sflag:s10], $0x1E00  }
0x1da: {  	[sflag:s10] =	ssyncset.done $0x0  }
0x1db: {  	s31 =	rddreg [dreg:$0x5];
	[sflag:s10] =	ssyncadd.s32 $0xFFFFE200  }
0x1dc: {  	[hbm4b:s31+s2] =	stream.linear.scatter [tilespmem:s7], [sflag:$0x4], $0x1E00, $0x38;
	[tilespmem:$0x47B8] =	vst v63  }
0x1dd: {  	_ =	swait.ge [sflag:s9], $0x1E00  }
0x1de: {  	[sflag:s9] =	ssyncset.done $0x0  }
0x1df: {  	s1 =	rddreg [dreg:$0x1e];
	[sflag:s9] =	ssyncadd.s32 $0xFFFFE200  }
0x1e0: {  	[tilespmem:s7], [sflag:$0x2] =	stream.indirect.gather [hbm4b:s6+s8], $0x40, s1, s8, $0xb8;
	[tilespmem:$0x47B8] =	vst v63  }
0x1e1: {  	_ =	swait.ge [sflag:s5], $0x1E00  }
0x1e2: {  	[sflag:s5] =	ssyncset.done $0x0  }
0x1e3: {  	s31 =	rddreg [dreg:$0x6];
	[sflag:s5] =	ssyncadd.s32 $0xFFFFE200  }
0x1e4: {  	[hbm4b:s31+s2] =	stream.linear.scatter [tilespmem:s3], [sflag:$0x3], $0x1E00, $0x38;
	[tilespmem:$0x47B8] =	vst v63  }
0x1e5: {  	_ =	swait.ge [sflag:s4], $0x1E00  }
0x1e6: {  	[sflag:s4] =	ssyncset.done $0x0  }
0x1e7: {  	s1 =	rddreg [dreg:$0x1f];
	[sflag:s4] =	ssyncadd.s32 $0xFFFFE200  }
0x1e8: {  	[tilespmem:s3], [sflag:$0x1] =	stream.indirect.gather [hbm4b:s6+s8], $0x40, s1, s8, $0xb8;
	[tilespmem:$0x47B8] =	vst v63  }
0x1e9: {  	_ =	swait.ge [sflag:s10], $0x1E00  }
0x1ea: {  	[sflag:s10] =	ssyncset.done $0x0  }
0x1eb: {  	s31 =	rddreg [dreg:$0x7];
	[sflag:s10] =	ssyncadd.s32 $0xFFFFE200  }
0x1ec: {  	[hbm4b:s31+s2] =	stream.linear.scatter [tilespmem:s7], [sflag:$0x4], $0x1E00, $0x38;
	[tilespmem:$0x47B8] =	vst v63  }
0x1ed: {  	_ =	swait.ge [sflag:s9], $0x1E00  }
0x1ee: {  	s1 =	sld [smem:$0x7FD]  }
0x1ef: {  	[sflag:s9] =	ssyncset.done $0x0  }
0x1f0: {  	[sflag:s9] =	ssyncadd.s32 $0xFFFFE200  }
0x1f1: {  	[tilespmem:s7], [sflag:$0x2] =	stream.indirect.gather [hbm4b:s6+s8], $0x40, s1, s8, $0xb8;
	[tilespmem:$0x47B8] =	vst v63  }
0x1f2: {  	_ =	swait.ge [sflag:s5], $0x1E00  }
0x1f3: {  	[sflag:s5] =	ssyncset.done $0x0  }
0x1f4: {  	s31 =	rddreg [dreg:$0x8];
	[sflag:s5] =	ssyncadd.s32 $0xFFFFE200  }
0x1f5: {  	[hbm4b:s31+s2] =	stream.linear.scatter [tilespmem:s3], [sflag:$0x3], $0x1E00, $0x38;
	[tilespmem:$0x47B8] =	vst v63  }
0x1f6: {  	_ =	swait.ge [sflag:s4], $0x1E00  }
0x1f7: {  	[sflag:s4] =	ssyncset.done $0x0  }
0x1f8: {  	[sflag:s4] =	ssyncadd.s32 $0xFFFFE200  }
0x1f9: {  	[tilespmem:s3], [sflag:$0x1] =	stream.indirect.gather [hbm4b:s6+s8], $0x40, s30, s8, $0xb8;
	[tilespmem:$0x47B8] =	vst v63  }
0x1fa: {  	_ =	swait.ge [sflag:s10], $0x1E00  }
0x1fb: {  	[sflag:s10] =	ssyncset.done $0x0  }
0x1fc: {  	s1 =	rddreg [dreg:$0x9];
	[sflag:s10] =	ssyncadd.s32 $0xFFFFE200  }
0x1fd: {  	[hbm4b:s1+s2] =	stream.linear.scatter [tilespmem:s7], [sflag:$0x4], $0x1E00, $0x38;
	[tilespmem:$0x47B8] =	vst v63  }
0x1fe: {  	_ =	swait.ge [sflag:s9], $0x1E00  }
0x1ff: {  	[sflag:s9] =	ssyncset.done $0x0  }
0x200: {  	[sflag:s9] =	ssyncadd.s32 $0xFFFFE200  }
0x201: {  	[tilespmem:s7], [sflag:$0x2] =	stream.indirect.gather [hbm4b:s6+s8], $0x40, s29, s8, $0xb8;
	[tilespmem:$0x47B8] =	vst v63  }
0x202: {  	_ =	swait.ge [sflag:s5], $0x1E00  }
0x203: {  	[sflag:s5] =	ssyncset.done $0x0  }
0x204: {  	s30 =	rddreg [dreg:$0xa];
	[sflag:s5] =	ssyncadd.s32 $0xFFFFE200  }
0x205: {  	[hbm4b:s30+s2] =	stream.linear.scatter [tilespmem:s3], [sflag:$0x3], $0x1E00, $0x38;
	[tilespmem:$0x47B8] =	vst v63  }
0x206: {  	_ =	swait.ge [sflag:s4], $0x1E00  }
0x207: {  	[sflag:s4] =	ssyncset.done $0x0  }
0x208: {  	[sflag:s4] =	ssyncadd.s32 $0xFFFFE200  }
0x209: {  	[tilespmem:s3], [sflag:$0x1] =	stream.indirect.gather [hbm4b:s6+s8], $0x40, s28, s8, $0xb8;
	[tilespmem:$0x47B8] =	vst v63  }
0x20a: {  	_ =	swait.ge [sflag:s10], $0x1E00  }
0x20b: {  	[sflag:s10] =	ssyncset.done $0x0  }
0x20c: {  	s31 =	rddreg [dreg:$0xb];
	[sflag:s10] =	ssyncadd.s32 $0xFFFFE200  }
0x20d: {  	[hbm4b:s31+s2] =	stream.linear.scatter [tilespmem:s7], [sflag:$0x4], $0x1E00, $0x38;
	[tilespmem:$0x47B8] =	vst v63  }
0x20e: {  	_ =	swait.ge [sflag:s9], $0x1E00  }
0x20f: {  	[sflag:s9] =	ssyncset.done $0x0  }
0x210: {  	[sflag:s9] =	ssyncadd.s32 $0xFFFFE200  }
0x211: {  	[tilespmem:s7], [sflag:$0x2] =	stream.indirect.gather [hbm4b:s6+s8], $0x40, s26, s8, $0xb8;
	[tilespmem:$0x47B8] =	vst v63  }
0x212: {  	_ =	swait.ge [sflag:s5], $0x1E00  }
0x213: {  	[sflag:s5] =	ssyncset.done $0x0  }
0x214: {  	s1 =	rddreg [dreg:$0xc];
	[sflag:s5] =	ssyncadd.s32 $0xFFFFE200  }
0x215: {  	[hbm4b:s1+s2] =	stream.linear.scatter [tilespmem:s3], [sflag:$0x3], $0x1E00, $0x38;
	[tilespmem:$0x47B8] =	vst v63  }
0x216: {  	_ =	swait.ge [sflag:s4], $0x1E00  }
0x217: {  	[sflag:s4] =	ssyncset.done $0x0  }
0x218: {  	[sflag:s4] =	ssyncadd.s32 $0xFFFFE200  }
0x219: {  	[tilespmem:s3], [sflag:$0x1] =	stream.indirect.gather [hbm4b:s6+s8], $0x40, s25, s8, $0xb8;
	[tilespmem:$0x47B8] =	vst v63  }
0x21a: {  	_ =	swait.ge [sflag:s10], $0x1E00  }
0x21b: {  	[sflag:s10] =	ssyncset.done $0x0  }
0x21c: {  	s26 =	rddreg [dreg:$0xd];
	[sflag:s10] =	ssyncadd.s32 $0xFFFFE200  }
0x21d: {  	[hbm4b:s26+s2] =	stream.linear.scatter [tilespmem:s7], [sflag:$0x4], $0x1E00, $0x38;
	[tilespmem:$0x47B8] =	vst v63  }
0x21e: {  	_ =	swait.ge [sflag:s9], $0x1E00  }
0x21f: {  	[sflag:s9] =	ssyncset.done $0x0  }
0x220: {  	[sflag:s9] =	ssyncadd.s32 $0xFFFFE200  }
0x221: {  	[tilespmem:s7], [sflag:$0x2] =	stream.indirect.gather [hbm4b:s6+s8], $0x40, s24, s8, $0xb8;
	[tilespmem:$0x47B8] =	vst v63  }
0x222: {  	_ =	swait.ge [sflag:s5], $0x1E00  }
0x223: {  	[sflag:s5] =	ssyncset.done $0x0  }
0x224: {  	s28 =	rddreg [dreg:$0xe];
	[sflag:s5] =	ssyncadd.s32 $0xFFFFE200  }
0x225: {  	[hbm4b:s28+s2] =	stream.linear.scatter [tilespmem:s3], [sflag:$0x3], $0x1E00, $0x38;
	[tilespmem:$0x47B8] =	vst v63  }
0x226: {  	_ =	swait.ge [sflag:s4], $0x1E00  }
0x227: {  	[sflag:s4] =	ssyncset.done $0x0  }
0x228: {  	[sflag:s4] =	ssyncadd.s32 $0xFFFFE200  }
0x229: {  	[tilespmem:s3], [sflag:$0x1] =	stream.indirect.gather [hbm4b:s6+s8], $0x40, s23, s8, $0xb8;
	[tilespmem:$0x47B8] =	vst v63  }
0x22a: {  	_ =	swait.ge [sflag:s10], $0x1E00  }
0x22b: {  	[sflag:s10] =	ssyncset.done $0x0  }
0x22c: {  	s29 =	rddreg [dreg:$0xf];
	[sflag:s10] =	ssyncadd.s32 $0xFFFFE200  }
0x22d: {  	[hbm4b:s29+s2] =	stream.linear.scatter [tilespmem:s7], [sflag:$0x4], $0x1E00, $0x38;
	[tilespmem:$0x47B8] =	vst v63  }
0x22e: {  	_ =	swait.ge [sflag:s9], $0x1E00  }
0x22f: {  	[sflag:s9] =	ssyncset.done $0x0  }
0x230: {  	[sflag:s9] =	ssyncadd.s32 $0xFFFFE200  }
0x231: {  	[tilespmem:s7], [sflag:$0x2] =	stream.indirect.gather [hbm4b:s6+s8], $0x40, s22, s8, $0xb8;
	[tilespmem:$0x47B8] =	vst v63  }
0x232: {  	_ =	swait.ge [sflag:s5], $0x1E00  }
0x233: {  	[sflag:s5] =	ssyncset.done $0x0  }
0x234: {  	s30 =	rddreg [dreg:$0x10];
	[sflag:s5] =	ssyncadd.s32 $0xFFFFE200  }
0x235: {  	[hbm4b:s30+s2] =	stream.linear.scatter [tilespmem:s3], [sflag:$0x3], $0x1E00, $0x38;
	[tilespmem:$0x47B8] =	vst v63  }
0x236: {  	_ =	swait.ge [sflag:s4], $0x1E00  }
0x237: {  	[sflag:s4] =	ssyncset.done $0x0  }
0x238: {  	[sflag:s4] =	ssyncadd.s32 $0xFFFFE200  }
0x239: {  	[tilespmem:s3], [sflag:$0x1] =	stream.indirect.gather [hbm4b:s6+s8], $0x40, s21, s8, $0xb8;
	[tilespmem:$0x47B8] =	vst v63  }
0x23a: {  	_ =	swait.ge [sflag:s10], $0x1E00  }
0x23b: {  	[sflag:s10] =	ssyncset.done $0x0  }
0x23c: {  	s31 =	rddreg [dreg:$0x11];
	[sflag:s10] =	ssyncadd.s32 $0xFFFFE200  }
0x23d: {  	[hbm4b:s31+s2] =	stream.linear.scatter [tilespmem:s7], [sflag:$0x4], $0x1E00, $0x38;
	[tilespmem:$0x47B8] =	vst v63  }
0x23e: {  	_ =	swait.ge [sflag:s9], $0x1E00  }
0x23f: {  	[sflag:s9] =	ssyncset.done $0x0  }
0x240: {  	[sflag:s9] =	ssyncadd.s32 $0xFFFFE200  }
0x241: {  	[tilespmem:s7], [sflag:$0x2] =	stream.indirect.gather [hbm4b:s6+s8], $0x40, s20, s8, $0xb8;
	[tilespmem:$0x47B8] =	vst v63  }
0x242: {  	_ =	swait.ge [sflag:s5], $0x1E00  }
0x243: {  	[sflag:s5] =	ssyncset.done $0x0  }
0x244: {  	s1 =	rddreg [dreg:$0x12];
	[sflag:s5] =	ssyncadd.s32 $0xFFFFE200  }
0x245: {  	[hbm4b:s1+s2] =	stream.linear.scatter [tilespmem:s3], [sflag:$0x3], $0x1E00, $0x38;
	[tilespmem:$0x47B8] =	vst v63  }
0x246: {  	_ =	swait.ge [sflag:s4], $0x1E00  }
0x247: {  	[sflag:s4] =	ssyncset.done $0x0  }
0x248: {  	[sflag:s4] =	ssyncadd.s32 $0xFFFFE200  }
0x249: {  	[tilespmem:s3], [sflag:$0x1] =	stream.indirect.gather [hbm4b:s6+s8], $0x40, s19, s8, $0xb8;
	[tilespmem:$0x47B8] =	vst v63  }
0x24a: {  	_ =	swait.ge [sflag:s10], $0x1E00  }
0x24b: {  	[sflag:s10] =	ssyncset.done $0x0  }
0x24c: {  	s20 =	rddreg [dreg:$0x13];
	[sflag:s10] =	ssyncadd.s32 $0xFFFFE200  }
0x24d: {  	[hbm4b:s20+s2] =	stream.linear.scatter [tilespmem:s7], [sflag:$0x4], $0x1E00, $0x38;
	[tilespmem:$0x47B8] =	vst v63  }
0x24e: {  	_ =	swait.ge [sflag:s9], $0x1E00  }
0x24f: {  	[sflag:s9] =	ssyncset.done $0x0  }
0x250: {  	[sflag:s9] =	ssyncadd.s32 $0xFFFFE200  }
0x251: {  	[tilespmem:s7], [sflag:$0x2] =	stream.indirect.gather [hbm4b:s6+s8], $0x40, s18, s8, $0xb8;
	[tilespmem:$0x47B8] =	vst v63  }
0x252: {  	_ =	swait.ge [sflag:s5], $0x1E00  }
0x253: {  	[sflag:s5] =	ssyncset.done $0x0  }
0x254: {  	s21 =	rddreg [dreg:$0x14];
	[sflag:s5] =	ssyncadd.s32 $0xFFFFE200  }
0x255: {  	[hbm4b:s21+s2] =	stream.linear.scatter [tilespmem:s3], [sflag:$0x3], $0x1E00, $0x38;
	[tilespmem:$0x47B8] =	vst v63  }
0x256: {  	_ =	swait.ge [sflag:s4], $0x1E00  }
0x257: {  	[sflag:s4] =	ssyncset.done $0x0  }
0x258: {  	[sflag:s4] =	ssyncadd.s32 $0xFFFFE200  }
0x259: {  	[tilespmem:s3], [sflag:$0x1] =	stream.indirect.gather [hbm4b:s6+s8], $0x40, s17, s8, $0xb8;
	[tilespmem:$0x47B8] =	vst v63  }
0x25a: {  	_ =	swait.ge [sflag:s10], $0x1E00  }
0x25b: {  	[sflag:s10] =	ssyncset.done $0x0  }
0x25c: {  	s22 =	rddreg [dreg:$0x15];
	[sflag:s10] =	ssyncadd.s32 $0xFFFFE200  }
0x25d: {  	[hbm4b:s22+s2] =	stream.linear.scatter [tilespmem:s7], [sflag:$0x4], $0x1E00, $0x38;
	[tilespmem:$0x47B8] =	vst v63  }
0x25e: {  	_ =	swait.ge [sflag:s9], $0x1E00  }
0x25f: {  	[sflag:s9] =	ssyncset.done $0x0  }
0x260: {  	[sflag:s9] =	ssyncadd.s32 $0xFFFFE200  }
0x261: {  	[tilespmem:s7], [sflag:$0x2] =	stream.indirect.gather [hbm4b:s6+s8], $0x40, s16, s8, $0xb8;
	[tilespmem:$0x47B8] =	vst v63  }
0x262: {  	_ =	swait.ge [sflag:s5], $0x1E00  }
0x263: {  	[sflag:s5] =	ssyncset.done $0x0  }
0x264: {  	s23 =	rddreg [dreg:$0x16];
	[sflag:s5] =	ssyncadd.s32 $0xFFFFE200  }
0x265: {  	[hbm4b:s23+s2] =	stream.linear.scatter [tilespmem:s3], [sflag:$0x3], $0x1E00, $0x38;
	[tilespmem:$0x47B8] =	vst v63  }
0x266: {  	_ =	swait.ge [sflag:s4], $0x1E00  }
0x267: {  	[sflag:s4] =	ssyncset.done $0x0  }
0x268: {  	[sflag:s4] =	ssyncadd.s32 $0xFFFFE200  }
0x269: {  	[tilespmem:s3], [sflag:$0x1] =	stream.indirect.gather [hbm4b:s6+s8], $0x40, s15, s8, $0xb8;
	[tilespmem:$0x47B8] =	vst v63  }
0x26a: {  	_ =	swait.ge [sflag:s10], $0x1E00  }
0x26b: {  	[sflag:s10] =	ssyncset.done $0x0  }
0x26c: {  	s24 =	rddreg [dreg:$0x17];
	[sflag:s10] =	ssyncadd.s32 $0xFFFFE200  }
0x26d: {  	[hbm4b:s24+s2] =	stream.linear.scatter [tilespmem:s7], [sflag:$0x4], $0x1E00, $0x38;
	[tilespmem:$0x47B8] =	vst v63  }
0x26e: {  	_ =	swait.ge [sflag:s9], $0x1E00  }
0x26f: {  	[sflag:s9] =	ssyncset.done $0x0  }
0x270: {  	[sflag:s9] =	ssyncadd.s32 $0xFFFFE200  }
0x271: {  	[tilespmem:s7], [sflag:$0x2] =	stream.indirect.gather [hbm4b:s6+s8], $0x40, s14, s8, $0xb8;
	[tilespmem:$0x47B8] =	vst v63  }
0x272: {  	_ =	swait.ge [sflag:s5], $0x1E00  }
0x273: {  	[sflag:s5] =	ssyncset.done $0x0  }
0x274: {  	s25 =	rddreg [dreg:$0x18];
	[sflag:s5] =	ssyncadd.s32 $0xFFFFE200  }
0x275: {  	[hbm4b:s25+s2] =	stream.linear.scatter [tilespmem:s3], [sflag:$0x3], $0x1E00, $0x38;
	[tilespmem:$0x47B8] =	vst v63  }
0x276: {  	_ =	swait.ge [sflag:s4], $0x1E00  }
0x277: {  	[sflag:s4] =	ssyncset.done $0x0  }
0x278: {  	[sflag:s4] =	ssyncadd.s32 $0xFFFFE200  }
0x279: {  	[tilespmem:s3], [sflag:$0x1] =	stream.indirect.gather [hbm4b:s6+s8], $0x40, s13, s8, $0xb8;
	[tilespmem:$0x47B8] =	vst v63  }
0x27a: {  	_ =	swait.ge [sflag:s10], $0x1E00  }
0x27b: {  	[sflag:s10] =	ssyncset.done $0x0  }
0x27c: {  	s26 =	rddreg [dreg:$0x19];
	[sflag:s10] =	ssyncadd.s32 $0xFFFFE200  }
0x27d: {  	[hbm4b:s26+s2] =	stream.linear.scatter [tilespmem:s7], [sflag:$0x4], $0x1E00, $0x38;
	[tilespmem:$0x47B8] =	vst v63  }
0x27e: {  	_ =	swait.ge [sflag:s9], $0x1E00  }
0x27f: {  	[sflag:s9] =	ssyncset.done $0x0  }
0x280: {  	[sflag:s9] =	ssyncadd.s32 $0xFFFFE200  }
0x281: {  	[tilespmem:s7], [sflag:$0x2] =	stream.indirect.gather [hbm4b:s6+s8], $0x40, s12, s8, $0xb8;
	[tilespmem:$0x47B8] =	vst v63  }
0x282: {  	_ =	swait.ge [sflag:s5], $0x1E00  }
0x283: {  	[sflag:s5] =	ssyncset.done $0x0  }
0x284: {  	s28 =	rddreg [dreg:$0x1a];
	[sflag:s5] =	ssyncadd.s32 $0xFFFFE200  }
0x285: {  	[hbm4b:s28+s2] =	stream.linear.scatter [tilespmem:s3], [sflag:$0x3], $0x1E00, $0x38;
	[tilespmem:$0x47B8] =	vst v63  }
0x286: {  	_ =	swait.ge [sflag:s4], $0x1E00  }
0x287: {  	[sflag:s4] =	ssyncset.done $0x0  }
0x288: {  	[sflag:s4] =	ssyncadd.s32 $0xFFFFE200  }
0x289: {  	[tilespmem:s3], [sflag:$0x1] =	stream.indirect.gather [hbm4b:s6+s8], $0x40, s11, s8, $0xb8;
	[tilespmem:$0x47B8] =	vst v63  }
0x28a: {  	_ =	swait.ge [sflag:s10], $0x1E00  }
0x28b: {  	[sflag:s10] =	ssyncset.done $0x0  }
0x28c: {  	s29 =	rddreg [dreg:$0x1b];
	[sflag:s10] =	ssyncadd.s32 $0xFFFFE200  }
0x28d: {  	[hbm4b:s29+s2] =	stream.linear.scatter [tilespmem:s7], [sflag:$0x4], $0x1E00, $0x38;
	[tilespmem:$0x47B8] =	vst v63  }
0x28e: {  	_ =	swait.ge [sflag:s9], $0x1E00  }
0x28f: {  	[sflag:s9] =	ssyncset.done $0x0  }
0x290: {  	[sflag:s9] =	ssyncadd.s32 $0xFFFFE200  }
0x291: {  	_ =	swait.ge [sflag:s5], $0x1E00  }
0x292: {  	[sflag:s5] =	ssyncset.done $0x0  }
0x293: {  	s30 =	rddreg [dreg:$0x1c];
	[sflag:s5] =	ssyncadd.s32 $0xFFFFE200  }
0x294: {  	[hbm4b:s30+s2] =	stream.linear.scatter [tilespmem:s3], [sflag:$0x3], $0x1E00, $0x38;
	[tilespmem:$0x47B8] =	vst v63  }
0x295: {  	_ =	swait.ge [sflag:s4], $0x1E00  }
0x296: {  	[sflag:s4] =	ssyncset.done $0x0  }
0x297: {  	[sflag:s4] =	ssyncadd.s32 $0xFFFFE200  }
0x298: {  	_ =	sfence.sel $0x180000  }
0x299: {  	[bflag:$0x0] =	sbarrier.arrive $0xFFFF  }
0x29a: {  	_ =	strace $0x90000047  }
0x29b: {  	s31 =	stileid.u32;
	[bflag:$0x2] =	sbarrier.arrive $0xFFFF  }
0x29c: {  	p0 =	sne.s32 s31, $0x0;
	s0 =	rddreg [dreg:$0x2]  }
0x29d: {  	s0 =	sadd.s32 @!p0 $0x100000, s0  }
0x29e: {  	[sflag:s0] =	ssyncadd.tile.s32 @!p0 $0x1;
	_ =	shalt  }
.Lfunc_end2:
_tile_overlayer_lowered:
.L_overlay_start_2:
0x29f: {  	(tag) =	ssettag $0x2  }
0x2a0: {  	s0 =	rddreg [dreg:$0x0];
	s2 =	stileid.u32  }
0x2a1: {  	s1 =	rddreg [dreg:$0x1];
	p0 =	sne.s32 s2, $0x0  }
0x2a2: {  	s3 =	rddreg [dreg:$0x2];
	[bflag:$0x3] =	sbarrier.arrive $0xFFFF;
	s2 =	simm.s32 @!p0 $0x1C05  }
0x2a3: {  	[timem:s3], [sflag:s2] =	dma.local @!p0 [hbm:s0], s1  }
0x2a4: {  	s0 =	simm.s32 @!p0 $0x5  }
0x2a5: {  	_ =	swait.ge @!p0 [sflag:s0], s1  }
0x2a6: {  	s1 =	ssub.s32 @!p0 $0x0, s1;
	[sflag:s0] =	ssyncset.done @!p0 $0x0  }
0x2a7: {  	[sflag:s0] =	ssyncadd.s32 @!p0 s1  }
0x2a8: {  	[bflag:$0x3] =	sbarrier.arrive $0xFFFF  }
0x2a9: {  	_ =	shalt  }

</sc_bundles>
